<compile_context>
chip_gen: v7x
topology: tpu7x:2x2x1
jax: 0.10.2.dev20260603
libtpu: 0.0.44.dev20260713+nightly
codegen_flags: <defaults>
</compile_context>

<pallas_src>
import functools

import jax
import jax.numpy as jnp
from jax import lax
from jax.experimental import pallas as pl
from jax.experimental.pallas import tpu as pltpu
from jax.experimental.pallas import tpu_sc as plsc

N_NODES = 10000
D = 128
E = 320000
LOSS_WEIGHT = 0.1

NC = 2
NS = 16
NW = NC * NS
L = 16

W = D // 2
EPW = E // NW
K = 80
NCH = EPW // K
NPAIR = (NCH - 1) // 2

_mesh = plsc.VectorSubcoreMesh(core_axis_name="c", subcore_axis_name="s")


@functools.partial(
    pl.kernel,
    out_type=jax.ShapeDtypeStruct((NW, L), jnp.float32),
    mesh=_mesh,
    compiler_params=pltpu.CompilerParams(use_tc_tiling_on_sc=False),
    scratch_types=[
        pltpu.VMEM((EPW,), jnp.int32),
        pltpu.VMEM((EPW,), jnp.int32),
        pltpu.VMEM((K, W), jnp.int32),
        pltpu.VMEM((K, W), jnp.int32),
        pltpu.VMEM((K, W), jnp.int32),
        pltpu.VMEM((K, W), jnp.int32),
        pltpu.VMEM((L,), jnp.float32),
        pltpu.SemaphoreType.DMA,
        pltpu.SemaphoreType.DMA,
        pltpu.SemaphoreType.DMA,
        pltpu.SemaphoreType.DMA,
    ],
)
def _edge_sq_sum(fpacked_hbm, edges_hbm, out_hbm,
                 idx_r, idx_c, rbuf0, cbuf0, rbuf1, cbuf1, acc_v,
                 sem_r0, sem_c0, sem_r1, sem_c1):
    wid = lax.axis_index("s") * NC + lax.axis_index("c")
    base = wid * EPW

    pltpu.sync_copy(edges_hbm.at[pl.ds(base, EPW)], idx_r)
    pltpu.sync_copy(edges_hbm.at[pl.ds(E + base, EPW)], idx_c)

    rbufs = (rbuf0, rbuf1)
    cbufs = (cbuf0, cbuf1)
    sems_r = (sem_r0, sem_r1)
    sems_c = (sem_c0, sem_c1)

    def start_rc(ci, b):
        pltpu.async_copy(
            fpacked_hbm.at[idx_r.at[pl.ds(ci * K, K)]], rbufs[b], sems_r[b])
        pltpu.async_copy(
            fpacked_hbm.at[idx_c.at[pl.ds(ci * K, K)]], cbufs[b], sems_c[b])

    def wait_rc(ci, b):
        pltpu.make_async_copy(
            fpacked_hbm.at[idx_r.at[pl.ds(ci * K, K)]], rbufs[b],
            sems_r[b]).wait()
        pltpu.make_async_copy(
            fpacked_hbm.at[idx_c.at[pl.ds(ci * K, K)]], cbufs[b],
            sems_c[b]).wait()

    nacc = 2 * (W // L)
    shift = jnp.full((L,), 16, jnp.int32)
    hi_mask = jnp.full((L,), -65536, jnp.int32)

    def chunk_sum(b, accs):
        def edge_body(e, accs):
            out = list(accs)
            for g in range(W // L):
                wr = rbufs[b][e, pl.ds(g * L, L)]
                wc = cbufs[b][e, pl.ds(g * L, L)]
                rl = lax.bitcast_convert_type(lax.shift_left(wr, shift), jnp.float32)
                cl = lax.bitcast_convert_type(lax.shift_left(wc, shift), jnp.float32)
                dl = rl - cl
                out[2 * g] = out[2 * g] + dl * dl
                rh = lax.bitcast_convert_type(lax.bitwise_and(wr, hi_mask), jnp.float32)
                ch = lax.bitcast_convert_type(lax.bitwise_and(wc, hi_mask), jnp.float32)
                dh = rh - ch
                out[2 * g + 1] = out[2 * g + 1] + dh * dh
            return tuple(out)
        return plsc.parallel_loop(0, K, 1, unroll=4, carry=accs)(edge_body)

    start_rc(0, 0)
    start_rc(1, 1)

    def pair_body(i, accs):
        c0 = 2 * i
        c1 = c0 + 1
        wait_rc(c0, 0)
        accs = chunk_sum(0, accs)
        start_rc(c0 + 2, 0)
        wait_rc(c1, 1)
        accs = chunk_sum(1, accs)

        @pl.when(c1 + 2 < NCH)
        def _():
            start_rc(c1 + 2, 1)

        return accs

    zeros = tuple(jnp.zeros((L,), jnp.float32) for _ in range(nacc))
    accs = lax.fori_loop(0, NPAIR, pair_body, zeros)

    wait_rc(NCH - 1, 0)
    accs = chunk_sum(0, accs)

    acc = ((accs[0] + accs[1]) + (accs[2] + accs[3])) + (
        (accs[4] + accs[5]) + (accs[6] + accs[7]))
    acc_v[...] = acc
    pltpu.sync_copy(acc_v, out_hbm.at[wid])


def kernel(features, edge_index):
    fb = features.astype(jnp.bfloat16)
    fpacked = lax.bitcast_convert_type(
        fb.reshape(N_NODES, W, 2), jnp.int32)
    partials = _edge_sq_sum(fpacked, edge_index.reshape(2 * E))
    return (LOSS_WEIGHT / (E * D)) * jnp.sum(partials)

# --- scband reference (transcript-rebuilt; emitter-appended) ---
"""Pipeline reference for scband-laplacian-smoothing-loss-56573309223824 (READ-ONLY COPY).

The authoritative reference and input builder live on the scoring server;
editing this copy changes nothing except your own understanding.
"""

import jax, jax.numpy as jnp
import numpy as np

WEIGHT = 0.1

def setup_inputs(seed: int = 0) -> dict:
    key = jax.random.key(seed)
    k1, k2 = jax.random.split(key)
    features = jax.random.normal(k1, (10000, 128), dtype=jnp.float32)
    edge_index = jax.random.randint(k2, (2, 320000), 0, 10000, dtype=jnp.int64 if jax.config.jax_enable_x64 else jnp.int32).astype(jnp.int32)
    return {"features": features, "edge_index": edge_index}

def reference(features, edge_index):
    row = edge_index[0]
    col = edge_index[1]
    diff = jnp.take(features, row, axis=0) - jnp.take(features, col, axis=0)
    laplacian_loss = jnp.mean(diff ** 2)
    return WEIGHT * laplacian_loss

if __name__ == "__main__":
    import jax
    _d = setup_inputs()
    print(jax.jit(kernel)(*tuple(_d.values())))

</pallas_src>

<mosaic_0001>
#map = affine_map<(d0, d1) -> (0, 0)>
#map1 = affine_map<(d0, d1) -> (0)>
module attributes {stable_mosaic.version = 14 : i64} {
  func.func @_edge_sq_sum(%arg0: i32, %arg1: i32, %arg2: memref<10000x64xi32, #tpu.memory_space<hbm>>, %arg3: memref<640000xi32, #tpu.memory_space<hbm>>, %arg4: memref<32x16xf32, #tpu.memory_space<hbm>>, %arg5: memref<10000xi32, #tpu.memory_space<vmem>>, %arg6: memref<10000xi32, #tpu.memory_space<vmem>>, %arg7: memref<80x64xi32, #tpu.memory_space<vmem>>, %arg8: memref<80x64xi32, #tpu.memory_space<vmem>>, %arg9: memref<80x64xi32, #tpu.memory_space<vmem>>, %arg10: memref<80x64xi32, #tpu.memory_space<vmem>>, %arg11: memref<16xf32, #tpu.memory_space<vmem>>, %arg12: memref<!tpu.dma_semaphore, #tpu.memory_space<semaphore_mem>>, %arg13: memref<!tpu.dma_semaphore, #tpu.memory_space<semaphore_mem>>, %arg14: memref<!tpu.dma_semaphore, #tpu.memory_space<semaphore_mem>>, %arg15: memref<!tpu.dma_semaphore, #tpu.memory_space<semaphore_mem>>) attributes {dimension_semantics = [#tpu.dimension_semantics<core_parallel>, #tpu.dimension_semantics<subcore_parallel>], iteration_bounds = array<i64: 2, 16>, scalar_prefetch = 0 : i64, scratch_operands = 11 : i64, tpu.core_type = #tpu.core_type<sc_vector_subcore>, window_params = [{transform_indices = #map}, {transform_indices = #map1}, {transform_indices = #map}]} {
    %mul3A = arith.constant 2 : i32
    %mul3A_0 = arith.muli %arg1, %mul3A : i32
    %add3A = arith.addi %mul3A_0, %arg0 : i32
    %mul3A_1 = arith.constant 10000 : i32
    %mul3A_2 = arith.muli %add3A, %mul3A_1 : i32
    "tpu.region"() ({
      %run_scoped3A = tpu.sem_alloc : memref<!tpu.dma_semaphore, #tpu.memory_space<semaphore_mem>>
      %dma_start3A_70 = tpu.memref_slice %arg3[%mul3A_2] : memref<640000xi32, #tpu.memory_space<hbm>> -> memref<10000xi32, #tpu.memory_space<hbm>>
      %dma_start3A_71 = tpu.memref_slice %arg3[%mul3A_2] : memref<640000xi32, #tpu.memory_space<hbm>> -> memref<10000xi32, #tpu.memory_space<hbm>>
      tpu.enqueue_dma source(%dma_start3A_71 : memref<10000xi32, #tpu.memory_space<hbm>>) target(%arg5 : memref<10000xi32, #tpu.memory_space<vmem>>) target_semaphore(%run_scoped3A : memref<!tpu.dma_semaphore, #tpu.memory_space<semaphore_mem>>)
      %dma_wait3A_72 = tpu.memref_slice %arg3[%mul3A_2] : memref<640000xi32, #tpu.memory_space<hbm>> -> memref<10000xi32, #tpu.memory_space<hbm>>
      %dma_wait3A_73 = tpu.memref_slice %arg3[%mul3A_2] : memref<640000xi32, #tpu.memory_space<hbm>> -> memref<10000xi32, #tpu.memory_space<hbm>>
      tpu.wait_dma2 semaphore(%run_scoped3A : memref<!tpu.dma_semaphore, #tpu.memory_space<semaphore_mem>>) src(%dma_wait3A_73 : memref<10000xi32, #tpu.memory_space<hbm>>) dst(%arg5 : memref<10000xi32, #tpu.memory_space<vmem>>)
      tpu.yield
    }) : () -> ()
    %add3A_3 = arith.constant 320000 : i32
    %add3A_4 = arith.addi %add3A_3, %mul3A_2 : i32
    "tpu.region"() ({
      %run_scoped3A = tpu.sem_alloc : memref<!tpu.dma_semaphore, #tpu.memory_space<semaphore_mem>>
      %dma_start3A_70 = tpu.memref_slice %arg3[%add3A_4] : memref<640000xi32, #tpu.memory_space<hbm>> -> memref<10000xi32, #tpu.memory_space<hbm>>
      %dma_start3A_71 = tpu.memref_slice %arg3[%add3A_4] : memref<640000xi32, #tpu.memory_space<hbm>> -> memref<10000xi32, #tpu.memory_space<hbm>>
      tpu.enqueue_dma source(%dma_start3A_71 : memref<10000xi32, #tpu.memory_space<hbm>>) target(%arg6 : memref<10000xi32, #tpu.memory_space<vmem>>) target_semaphore(%run_scoped3A : memref<!tpu.dma_semaphore, #tpu.memory_space<semaphore_mem>>)
      %dma_wait3A_72 = tpu.memref_slice %arg3[%add3A_4] : memref<640000xi32, #tpu.memory_space<hbm>> -> memref<10000xi32, #tpu.memory_space<hbm>>
      %dma_wait3A_73 = tpu.memref_slice %arg3[%add3A_4] : memref<640000xi32, #tpu.memory_space<hbm>> -> memref<10000xi32, #tpu.memory_space<hbm>>
      tpu.wait_dma2 semaphore(%run_scoped3A : memref<!tpu.dma_semaphore, #tpu.memory_space<semaphore_mem>>) src(%dma_wait3A_73 : memref<10000xi32, #tpu.memory_space<hbm>>) dst(%arg6 : memref<10000xi32, #tpu.memory_space<vmem>>)
      tpu.yield
    }) : () -> ()
    %broadcast_in_dim3A = arith.constant 16 : i32
    %broadcast_in_dim3A_5 = vector.broadcast %broadcast_in_dim3A : i32 to vector<16xi32>
    %broadcast_in_dim3A_6 = arith.constant -65536 : i32
    %broadcast_in_dim3A_7 = vector.broadcast %broadcast_in_dim3A_6 : i32 to vector<16xi32>
    %dma_start3A = arith.constant 0 : i32
    %dma_start3A_8 = tpu.memref_slice %arg5[%dma_start3A] : memref<10000xi32, #tpu.memory_space<vmem>> -> memref<80xi32, #tpu.memory_space<vmem>>
    %dma_start3A_9 = arith.constant 0 : i32
    %dma_start3A_10 = arith.constant 0 : i32
    %dma_start3A_11 = tpu.memref_slice %arg2[%dma_start3A_9, %dma_start3A_10] : memref<10000x64xi32, #tpu.memory_space<hbm>> -> memref<10000x64xi32, #tpu.memory_space<hbm>>
    tpu.enqueue_indirect_dma source(%dma_start3A_11 : memref<10000x64xi32, #tpu.memory_space<hbm>>) target(%arg7 : memref<80x64xi32, #tpu.memory_space<vmem>>) offsets(%dma_start3A_8 : memref<80xi32, #tpu.memory_space<vmem>>) semaphore(%arg12 : memref<!tpu.dma_semaphore, #tpu.memory_space<semaphore_mem>>)
    %dma_start3A_12 = arith.constant 0 : i32
    %dma_start3A_13 = tpu.memref_slice %arg6[%dma_start3A_12] : memref<10000xi32, #tpu.memory_space<vmem>> -> memref<80xi32, #tpu.memory_space<vmem>>
    %dma_start3A_14 = arith.constant 0 : i32
    %dma_start3A_15 = arith.constant 0 : i32
    %dma_start3A_16 = tpu.memref_slice %arg2[%dma_start3A_14, %dma_start3A_15] : memref<10000x64xi32, #tpu.memory_space<hbm>> -> memref<10000x64xi32, #tpu.memory_space<hbm>>
    tpu.enqueue_indirect_dma source(%dma_start3A_16 : memref<10000x64xi32, #tpu.memory_space<hbm>>) target(%arg8 : memref<80x64xi32, #tpu.memory_space<vmem>>) offsets(%dma_start3A_13 : memref<80xi32, #tpu.memory_space<vmem>>) semaphore(%arg13 : memref<!tpu.dma_semaphore, #tpu.memory_space<semaphore_mem>>)
    %dma_start3A_17 = arith.constant 80 : i32
    %dma_start3A_18 = tpu.memref_slice %arg5[%dma_start3A_17] : memref<10000xi32, #tpu.memory_space<vmem>> -> memref<80xi32, #tpu.memory_space<vmem>>
    %dma_start3A_19 = arith.constant 0 : i32
    %dma_start3A_20 = arith.constant 0 : i32
    %dma_start3A_21 = tpu.memref_slice %arg2[%dma_start3A_19, %dma_start3A_20] : memref<10000x64xi32, #tpu.memory_space<hbm>> -> memref<10000x64xi32, #tpu.memory_space<hbm>>
    tpu.enqueue_indirect_dma source(%dma_start3A_21 : memref<10000x64xi32, #tpu.memory_space<hbm>>) target(%arg9 : memref<80x64xi32, #tpu.memory_space<vmem>>) offsets(%dma_start3A_18 : memref<80xi32, #tpu.memory_space<vmem>>) semaphore(%arg14 : memref<!tpu.dma_semaphore, #tpu.memory_space<semaphore_mem>>)
    %dma_start3A_22 = arith.constant 80 : i32
    %dma_start3A_23 = tpu.memref_slice %arg6[%dma_start3A_22] : memref<10000xi32, #tpu.memory_space<vmem>> -> memref<80xi32, #tpu.memory_space<vmem>>
    %dma_start3A_24 = arith.constant 0 : i32
    %dma_start3A_25 = arith.constant 0 : i32
    %dma_start3A_26 = tpu.memref_slice %arg2[%dma_start3A_24, %dma_start3A_25] : memref<10000x64xi32, #tpu.memory_space<hbm>> -> memref<10000x64xi32, #tpu.memory_space<hbm>>
    tpu.enqueue_indirect_dma source(%dma_start3A_26 : memref<10000x64xi32, #tpu.memory_space<hbm>>) target(%arg10 : memref<80x64xi32, #tpu.memory_space<vmem>>) offsets(%dma_start3A_23 : memref<80xi32, #tpu.memory_space<vmem>>) semaphore(%arg15 : memref<!tpu.dma_semaphore, #tpu.memory_space<semaphore_mem>>)
    %broadcast_in_dim3A_27 = arith.constant 0.000000e+00 : f32
    %broadcast_in_dim3A_28 = vector.broadcast %broadcast_in_dim3A_27 : f32 to vector<16xf32>
    %broadcast_in_dim3A_29 = arith.constant 0.000000e+00 : f32
    %broadcast_in_dim3A_30 = vector.broadcast %broadcast_in_dim3A_29 : f32 to vector<16xf32>
    %broadcast_in_dim3A_31 = arith.constant 0.000000e+00 : f32
    %broadcast_in_dim3A_32 = vector.broadcast %broadcast_in_dim3A_31 : f32 to vector<16xf32>
    %broadcast_in_dim3A_33 = arith.constant 0.000000e+00 : f32
    %broadcast_in_dim3A_34 = vector.broadcast %broadcast_in_dim3A_33 : f32 to vector<16xf32>
    %broadcast_in_dim3A_35 = arith.constant 0.000000e+00 : f32
    %broadcast_in_dim3A_36 = vector.broadcast %broadcast_in_dim3A_35 : f32 to vector<16xf32>
    %broadcast_in_dim3A_37 = arith.constant 0.000000e+00 : f32
    %broadcast_in_dim3A_38 = vector.broadcast %broadcast_in_dim3A_37 : f32 to vector<16xf32>
    %broadcast_in_dim3A_39 = arith.constant 0.000000e+00 : f32
    %broadcast_in_dim3A_40 = vector.broadcast %broadcast_in_dim3A_39 : f32 to vector<16xf32>
    %broadcast_in_dim3A_41 = arith.constant 0.000000e+00 : f32
    %broadcast_in_dim3A_42 = vector.broadcast %broadcast_in_dim3A_41 : f32 to vector<16xf32>
    %scan3A = arith.constant 0 : i32
    %scan3A_43 = arith.constant 62 : i32
    %scan3A_44 = arith.addi %scan3A, %scan3A_43 : i32
    %scan3A_45 = arith.constant 1 : i32
    %scan3A_46:8 = scf.for %scan3A_70 = %scan3A to %scan3A_44 step %scan3A_45 iter_args(%scan3A_71 = %broadcast_in_dim3A_28, %scan3A_72 = %broadcast_in_dim3A_30, %scan3A_73 = %broadcast_in_dim3A_32, %scan3A_74 = %broadcast_in_dim3A_34, %scan3A_75 = %broadcast_in_dim3A_36, %scan3A_76 = %broadcast_in_dim3A_38, %scan3A_77 = %broadcast_in_dim3A_40, %scan3A_78 = %broadcast_in_dim3A_42) -> (vector<16xf32>, vector<16xf32>, vector<16xf32>, vector<16xf32>, vector<16xf32>, vector<16xf32>, vector<16xf32>, vector<16xf32>)  : i32 {
      %mul3A_79 = arith.constant 2 : i32
      %mul3A_80 = arith.muli %mul3A_79, %scan3A_70 : i32
      %add3A_81 = arith.constant 1 : i32
      %add3A_82 = arith.addi %mul3A_80, %add3A_81 : i32
      %mul3A_83 = arith.constant 80 : i32
      %mul3A_84 = arith.muli %mul3A_80, %mul3A_83 : i32
      %dma_wait3A_85 = tpu.memref_slice %arg5[%mul3A_84] : memref<10000xi32, #tpu.memory_space<vmem>> -> memref<80xi32, #tpu.memory_space<vmem>>
      %dma_wait3A_86 = arith.constant 0 : i32
      %dma_wait3A_87 = arith.constant 0 : i32
      %dma_wait3A_88 = tpu.memref_slice %arg2[%dma_wait3A_86, %dma_wait3A_87] : memref<10000x64xi32, #tpu.memory_space<hbm>> -> memref<10000x64xi32, #tpu.memory_space<hbm>>
      tpu.wait_indirect_dma semaphore(%arg12 : memref<!tpu.dma_semaphore, #tpu.memory_space<semaphore_mem>>) src(%dma_wait3A_88 : memref<10000x64xi32, #tpu.memory_space<hbm>>) dst(%arg7 : memref<80x64xi32, #tpu.memory_space<vmem>>)
      %mul3A_89 = arith.constant 80 : i32
      %mul3A_90 = arith.muli %mul3A_80, %mul3A_89 : i32
      %dma_wait3A_91 = tpu.memref_slice %arg6[%mul3A_90] : memref<10000xi32, #tpu.memory_space<vmem>> -> memref<80xi32, #tpu.memory_space<vmem>>
      %dma_wait3A_92 = arith.constant 0 : i32
      %dma_wait3A_93 = arith.constant 0 : i32
      %dma_wait3A_94 = tpu.memref_slice %arg2[%dma_wait3A_92, %dma_wait3A_93] : memref<10000x64xi32, #tpu.memory_space<hbm>> -> memref<10000x64xi32, #tpu.memory_space<hbm>>
      tpu.wait_indirect_dma semaphore(%arg13 : memref<!tpu.dma_semaphore, #tpu.memory_space<semaphore_mem>>) src(%dma_wait3A_94 : memref<10000x64xi32, #tpu.memory_space<hbm>>) dst(%arg8 : memref<80x64xi32, #tpu.memory_space<vmem>>)
      %parallel_loop3A_95 = arith.constant 0 : i32
      %parallel_loop3A_96 = arith.constant 80 : i32
      %parallel_loop3A_97 = arith.constant 1 : i32
      %parallel_loop3A_98:8 = scf.for %parallel_loop3A_133 = %parallel_loop3A_95 to %parallel_loop3A_96 step %parallel_loop3A_97 iter_args(%parallel_loop3A_134 = %scan3A_71, %parallel_loop3A_135 = %scan3A_72, %parallel_loop3A_136 = %scan3A_73, %parallel_loop3A_137 = %scan3A_74, %parallel_loop3A_138 = %scan3A_75, %parallel_loop3A_139 = %scan3A_76, %parallel_loop3A_140 = %scan3A_77, %parallel_loop3A_141 = %scan3A_78) -> (vector<16xf32>, vector<16xf32>, vector<16xf32>, vector<16xf32>, vector<16xf32>, vector<16xf32>, vector<16xf32>, vector<16xf32>)  : i32 {
        %parallel_loop3A_142 = arith.index_cast %parallel_loop3A_133 : i32 to index
        %parallel_loop3A_143 = arith.constant 0 : index
        %parallel_loop3A_144 = tpu.vector_load %arg7[%parallel_loop3A_142, %parallel_loop3A_143] {strides = array<i32>} : memref<80x64xi32, #tpu.memory_space<vmem>>, vector<1x16xi32>,
        %parallel_loop3A_145 = vector.shape_cast %parallel_loop3A_144 : vector<1x16xi32> to vector<16xi32>
        %parallel_loop3A_146 = arith.index_cast %parallel_loop3A_133 : i32 to index
        %parallel_loop3A_147 = arith.constant 0 : index
        %parallel_loop3A_148 = tpu.vector_load %arg8[%parallel_loop3A_146, %parallel_loop3A_147] {strides = array<i32>} : memref<80x64xi32, #tpu.memory_space<vmem>>, vector<1x16xi32>,
        %parallel_loop3A_149 = vector.shape_cast %parallel_loop3A_148 : vector<1x16xi32> to vector<16xi32>
        %parallel_loop3A_150 = arith.shli %parallel_loop3A_145, %broadcast_in_dim3A_5 : vector<16xi32>
        %parallel_loop3A_151 = tpu.bitcast %parallel_loop3A_150 : vector<16xi32> -> vector<16xf32>
        %parallel_loop3A_152 = arith.shli %parallel_loop3A_149, %broadcast_in_dim3A_5 : vector<16xi32>
        %parallel_loop3A_153 = tpu.bitcast %parallel_loop3A_152 : vector<16xi32> -> vector<16xf32>
        %parallel_loop3A_154 = arith.subf %parallel_loop3A_151, %parallel_loop3A_153 : vector<16xf32>
        %parallel_loop3A_155 = arith.mulf %parallel_loop3A_154, %parallel_loop3A_154 : vector<16xf32>
        %parallel_loop3A_156 = arith.addf %parallel_loop3A_134, %parallel_loop3A_155 : vector<16xf32>
        %parallel_loop3A_157 = arith.andi %parallel_loop3A_145, %broadcast_in_dim3A_7 : vector<16xi32>
        %parallel_loop3A_158 = tpu.bitcast %parallel_loop3A_157 : vector<16xi32> -> vector<16xf32>
        %parallel_loop3A_159 = arith.andi %parallel_loop3A_149, %broadcast_in_dim3A_7 : vector<16xi32>
        %parallel_loop3A_160 = tpu.bitcast %parallel_loop3A_159 : vector<16xi32> -> vector<16xf32>
        %parallel_loop3A_161 = arith.subf %parallel_loop3A_158, %parallel_loop3A_160 : vector<16xf32>
        %parallel_loop3A_162 = arith.mulf %parallel_loop3A_161, %parallel_loop3A_161 : vector<16xf32>
        %parallel_loop3A_163 = arith.addf %parallel_loop3A_135, %parallel_loop3A_162 : vector<16xf32>
        %parallel_loop3A_164 = arith.index_cast %parallel_loop3A_133 : i32 to index
        %parallel_loop3A_165 = arith.constant 16 : index
        %parallel_loop3A_166 = tpu.vector_load %arg7[%parallel_loop3A_164, %parallel_loop3A_165] {strides = array<i32>} : memref<80x64xi32, #tpu.memory_space<vmem>>, vector<1x16xi32>,
        %parallel_loop3A_167 = vector.shape_cast %parallel_loop3A_166 : vector<1x16xi32> to vector<16xi32>
        %parallel_loop3A_168 = arith.index_cast %parallel_loop3A_133 : i32 to index
        %parallel_loop3A_169 = arith.constant 16 : index
        %parallel_loop3A_170 = tpu.vector_load %arg8[%parallel_loop3A_168, %parallel_loop3A_169] {strides = array<i32>} : memref<80x64xi32, #tpu.memory_space<vmem>>, vector<1x16xi32>,
        %parallel_loop3A_171 = vector.shape_cast %parallel_loop3A_170 : vector<1x16xi32> to vector<16xi32>
        %parallel_loop3A_172 = arith.shli %parallel_loop3A_167, %broadcast_in_dim3A_5 : vector<16xi32>
        %parallel_loop3A_173 = tpu.bitcast %parallel_loop3A_172 : vector<16xi32> -> vector<16xf32>
        %parallel_loop3A_174 = arith.shli %parallel_loop3A_171, %broadcast_in_dim3A_5 : vector<16xi32>
        %parallel_loop3A_175 = tpu.bitcast %parallel_loop3A_174 : vector<16xi32> -> vector<16xf32>
        %parallel_loop3A_176 = arith.subf %parallel_loop3A_173, %parallel_loop3A_175 : vector<16xf32>
        %parallel_loop3A_177 = arith.mulf %parallel_loop3A_176, %parallel_loop3A_176 : vector<16xf32>
        %parallel_loop3A_178 = arith.addf %parallel_loop3A_136, %parallel_loop3A_177 : vector<16xf32>
        %parallel_loop3A_179 = arith.andi %parallel_loop3A_167, %broadcast_in_dim3A_7 : vector<16xi32>
        %parallel_loop3A_180 = tpu.bitcast %parallel_loop3A_179 : vector<16xi32> -> vector<16xf32>
        %parallel_loop3A_181 = arith.andi %parallel_loop3A_171, %broadcast_in_dim3A_7 : vector<16xi32>
        %parallel_loop3A_182 = tpu.bitcast %parallel_loop3A_181 : vector<16xi32> -> vector<16xf32>
        %parallel_loop3A_183 = arith.subf %parallel_loop3A_180, %parallel_loop3A_182 : vector<16xf32>
        %parallel_loop3A_184 = arith.mulf %parallel_loop3A_183, %parallel_loop3A_183 : vector<16xf32>
        %parallel_loop3A_185 = arith.addf %parallel_loop3A_137, %parallel_loop3A_184 : vector<16xf32>
        %parallel_loop3A_186 = arith.index_cast %parallel_loop3A_133 : i32 to index
        %parallel_loop3A_187 = arith.constant 32 : index
        %parallel_loop3A_188 = tpu.vector_load %arg7[%parallel_loop3A_186, %parallel_loop3A_187] {strides = array<i32>} : memref<80x64xi32, #tpu.memory_space<vmem>>, vector<1x16xi32>,
        %parallel_loop3A_189 = vector.shape_cast %parallel_loop3A_188 : vector<1x16xi32> to vector<16xi32>
        %parallel_loop3A_190 = arith.index_cast %parallel_loop3A_133 : i32 to index
        %parallel_loop3A_191 = arith.constant 32 : index
        %parallel_loop3A_192 = tpu.vector_load %arg8[%parallel_loop3A_190, %parallel_loop3A_191] {strides = array<i32>} : memref<80x64xi32, #tpu.memory_space<vmem>>, vector<1x16xi32>,
        %parallel_loop3A_193 = vector.shape_cast %parallel_loop3A_192 : vector<1x16xi32> to vector<16xi32>
        %parallel_loop3A_194 = arith.shli %parallel_loop3A_189, %broadcast_in_dim3A_5 : vector<16xi32>
        %parallel_loop3A_195 = tpu.bitcast %parallel_loop3A_194 : vector<16xi32> -> vector<16xf32>
        %parallel_loop3A_196 = arith.shli %parallel_loop3A_193, %broadcast_in_dim3A_5 : vector<16xi32>
        %parallel_loop3A_197 = tpu.bitcast %parallel_loop3A_196 : vector<16xi32> -> vector<16xf32>
        %parallel_loop3A_198 = arith.subf %parallel_loop3A_195, %parallel_loop3A_197 : vector<16xf32>
        %parallel_loop3A_199 = arith.mulf %parallel_loop3A_198, %parallel_loop3A_198 : vector<16xf32>
        %parallel_loop3A_200 = arith.addf %parallel_loop3A_138, %parallel_loop3A_199 : vector<16xf32>
        %parallel_loop3A_201 = arith.andi %parallel_loop3A_189, %broadcast_in_dim3A_7 : vector<16xi32>
        %parallel_loop3A_202 = tpu.bitcast %parallel_loop3A_201 : vector<16xi32> -> vector<16xf32>
        %parallel_loop3A_203 = arith.andi %parallel_loop3A_193, %broadcast_in_dim3A_7 : vector<16xi32>
        %parallel_loop3A_204 = tpu.bitcast %parallel_loop3A_203 : vector<16xi32> -> vector<16xf32>
        %parallel_loop3A_205 = arith.subf %parallel_loop3A_202, %parallel_loop3A_204 : vector<16xf32>
        %parallel_loop3A_206 = arith.mulf %parallel_loop3A_205, %parallel_loop3A_205 : vector<16xf32>
        %parallel_loop3A_207 = arith.addf %parallel_loop3A_139, %parallel_loop3A_206 : vector<16xf32>
        %parallel_loop3A_208 = arith.index_cast %parallel_loop3A_133 : i32 to index
        %parallel_loop3A_209 = arith.constant 48 : index
        %parallel_loop3A_210 = tpu.vector_load %arg7[%parallel_loop3A_208, %parallel_loop3A_209] {strides = array<i32>} : memref<80x64xi32, #tpu.memory_space<vmem>>, vector<1x16xi32>,
        %parallel_loop3A_211 = vector.shape_cast %parallel_loop3A_210 : vector<1x16xi32> to vector<16xi32>
        %parallel_loop3A_212 = arith.index_cast %parallel_loop3A_133 : i32 to index
        %parallel_loop3A_213 = arith.constant 48 : index
        %parallel_loop3A_214 = tpu.vector_load %arg8[%parallel_loop3A_212, %parallel_loop3A_213] {strides = array<i32>} : memref<80x64xi32, #tpu.memory_space<vmem>>, vector<1x16xi32>,
        %parallel_loop3A_215 = vector.shape_cast %parallel_loop3A_214 : vector<1x16xi32> to vector<16xi32>
        %parallel_loop3A_216 = arith.shli %parallel_loop3A_211, %broadcast_in_dim3A_5 : vector<16xi32>
        %parallel_loop3A_217 = tpu.bitcast %parallel_loop3A_216 : vector<16xi32> -> vector<16xf32>
        %parallel_loop3A_218 = arith.shli %parallel_loop3A_215, %broadcast_in_dim3A_5 : vector<16xi32>
        %parallel_loop3A_219 = tpu.bitcast %parallel_loop3A_218 : vector<16xi32> -> vector<16xf32>
        %parallel_loop3A_220 = arith.subf %parallel_loop3A_217, %parallel_loop3A_219 : vector<16xf32>
        %parallel_loop3A_221 = arith.mulf %parallel_loop3A_220, %parallel_loop3A_220 : vector<16xf32>
        %parallel_loop3A_222 = arith.addf %parallel_loop3A_140, %parallel_loop3A_221 : vector<16xf32>
        %parallel_loop3A_223 = arith.andi %parallel_loop3A_211, %broadcast_in_dim3A_7 : vector<16xi32>
        %parallel_loop3A_224 = tpu.bitcast %parallel_loop3A_223 : vector<16xi32> -> vector<16xf32>
        %parallel_loop3A_225 = arith.andi %parallel_loop3A_215, %broadcast_in_dim3A_7 : vector<16xi32>
        %parallel_loop3A_226 = tpu.bitcast %parallel_loop3A_225 : vector<16xi32> -> vector<16xf32>
        %parallel_loop3A_227 = arith.subf %parallel_loop3A_224, %parallel_loop3A_226 : vector<16xf32>
        %parallel_loop3A_228 = arith.mulf %parallel_loop3A_227, %parallel_loop3A_227 : vector<16xf32>
        %parallel_loop3A_229 = arith.addf %parallel_loop3A_141, %parallel_loop3A_228 : vector<16xf32>
        scf.yield %parallel_loop3A_156, %parallel_loop3A_163, %parallel_loop3A_178, %parallel_loop3A_185, %parallel_loop3A_200, %parallel_loop3A_207, %parallel_loop3A_222, %parallel_loop3A_229 : vector<16xf32>, vector<16xf32>, vector<16xf32>, vector<16xf32>, vector<16xf32>, vector<16xf32>, vector<16xf32>, vector<16xf32>
      } {sc.loop_unroll_factor = 4 : i64, sc.parallel_access}
      %add3A_99 = arith.constant 2 : i32
      %add3A_100 = arith.addi %mul3A_80, %add3A_99 : i32
      %mul3A_101 = arith.constant 80 : i32
      %mul3A_102 = arith.muli %add3A_100, %mul3A_101 : i32
      %dma_start3A_103 = tpu.memref_slice %arg5[%mul3A_102] : memref<10000xi32, #tpu.memory_space<vmem>> -> memref<80xi32, #tpu.memory_space<vmem>>
      %dma_start3A_104 = arith.constant 0 : i32
      %dma_start3A_105 = arith.constant 0 : i32
      %dma_start3A_106 = tpu.memref_slice %arg2[%dma_start3A_104, %dma_start3A_105] : memref<10000x64xi32, #tpu.memory_space<hbm>> -> memref<10000x64xi32, #tpu.memory_space<hbm>>
      tpu.enqueue_indirect_dma source(%dma_start3A_106 : memref<10000x64xi32, #tpu.memory_space<hbm>>) target(%arg7 : memref<80x64xi32, #tpu.memory_space<vmem>>) offsets(%dma_start3A_103 : memref<80xi32, #tpu.memory_space<vmem>>) semaphore(%arg12 : memref<!tpu.dma_semaphore, #tpu.memory_space<semaphore_mem>>)
      %mul3A_107 = arith.constant 80 : i32
      %mul3A_108 = arith.muli %add3A_100, %mul3A_107 : i32
      %dma_start3A_109 = tpu.memref_slice %arg6[%mul3A_108] : memref<10000xi32, #tpu.memory_space<vmem>> -> memref<80xi32, #tpu.memory_space<vmem>>
      %dma_start3A_110 = arith.constant 0 : i32
      %dma_start3A_111 = arith.constant 0 : i32
      %dma_start3A_112 = tpu.memref_slice %arg2[%dma_start3A_110, %dma_start3A_111] : memref<10000x64xi32, #tpu.memory_space<hbm>> -> memref<10000x64xi32, #tpu.memory_space<hbm>>
      tpu.enqueue_indirect_dma source(%dma_start3A_112 : memref<10000x64xi32, #tpu.memory_space<hbm>>) target(%arg8 : memref<80x64xi32, #tpu.memory_space<vmem>>) offsets(%dma_start3A_109 : memref<80xi32, #tpu.memory_space<vmem>>) semaphore(%arg13 : memref<!tpu.dma_semaphore, #tpu.memory_space<semaphore_mem>>)
      %mul3A_113 = arith.constant 80 : i32
      %mul3A_114 = arith.muli %add3A_82, %mul3A_113 : i32
      %dma_wait3A_115 = tpu.memref_slice %arg5[%mul3A_114] : memref<10000xi32, #tpu.memory_space<vmem>> -> memref<80xi32, #tpu.memory_space<vmem>>
      %dma_wait3A_116 = arith.constant 0 : i32
      %dma_wait3A_117 = arith.constant 0 : i32
      %dma_wait3A_118 = tpu.memref_slice %arg2[%dma_wait3A_116, %dma_wait3A_117] : memref<10000x64xi32, #tpu.memory_space<hbm>> -> memref<10000x64xi32, #tpu.memory_space<hbm>>
      tpu.wait_indirect_dma semaphore(%arg14 : memref<!tpu.dma_semaphore, #tpu.memory_space<semaphore_mem>>) src(%dma_wait3A_118 : memref<10000x64xi32, #tpu.memory_space<hbm>>) dst(%arg9 : memref<80x64xi32, #tpu.memory_space<vmem>>)
      %mul3A_119 = arith.constant 80 : i32
      %mul3A_120 = arith.muli %add3A_82, %mul3A_119 : i32
      %dma_wait3A_121 = tpu.memref_slice %arg6[%mul3A_120] : memref<10000xi32, #tpu.memory_space<vmem>> -> memref<80xi32, #tpu.memory_space<vmem>>
      %dma_wait3A_122 = arith.constant 0 : i32
      %dma_wait3A_123 = arith.constant 0 : i32
      %dma_wait3A_124 = tpu.memref_slice %arg2[%dma_wait3A_122, %dma_wait3A_123] : memref<10000x64xi32, #tpu.memory_space<hbm>> -> memref<10000x64xi32, #tpu.memory_space<hbm>>
      tpu.wait_indirect_dma semaphore(%arg15 : memref<!tpu.dma_semaphore, #tpu.memory_space<semaphore_mem>>) src(%dma_wait3A_124 : memref<10000x64xi32, #tpu.memory_space<hbm>>) dst(%arg10 : memref<80x64xi32, #tpu.memory_space<vmem>>)
      %parallel_loop3A_125 = arith.constant 0 : i32
      %parallel_loop3A_126 = arith.constant 80 : i32
      %parallel_loop3A_127 = arith.constant 1 : i32
      %parallel_loop3A_128:8 = scf.for %parallel_loop3A_133 = %parallel_loop3A_125 to %parallel_loop3A_126 step %parallel_loop3A_127 iter_args(%parallel_loop3A_134 = %parallel_loop3A_98#0, %parallel_loop3A_135 = %parallel_loop3A_98#1, %parallel_loop3A_136 = %parallel_loop3A_98#2, %parallel_loop3A_137 = %parallel_loop3A_98#3, %parallel_loop3A_138 = %parallel_loop3A_98#4, %parallel_loop3A_139 = %parallel_loop3A_98#5, %parallel_loop3A_140 = %parallel_loop3A_98#6, %parallel_loop3A_141 = %parallel_loop3A_98#7) -> (vector<16xf32>, vector<16xf32>, vector<16xf32>, vector<16xf32>, vector<16xf32>, vector<16xf32>, vector<16xf32>, vector<16xf32>)  : i32 {
        %parallel_loop3A_142 = arith.index_cast %parallel_loop3A_133 : i32 to index
        %parallel_loop3A_143 = arith.constant 0 : index
        %parallel_loop3A_144 = tpu.vector_load %arg9[%parallel_loop3A_142, %parallel_loop3A_143] {strides = array<i32>} : memref<80x64xi32, #tpu.memory_space<vmem>>, vector<1x16xi32>,
        %parallel_loop3A_145 = vector.shape_cast %parallel_loop3A_144 : vector<1x16xi32> to vector<16xi32>
        %parallel_loop3A_146 = arith.index_cast %parallel_loop3A_133 : i32 to index
        %parallel_loop3A_147 = arith.constant 0 : index
        %parallel_loop3A_148 = tpu.vector_load %arg10[%parallel_loop3A_146, %parallel_loop3A_147] {strides = array<i32>} : memref<80x64xi32, #tpu.memory_space<vmem>>, vector<1x16xi32>,
        %parallel_loop3A_149 = vector.shape_cast %parallel_loop3A_148 : vector<1x16xi32> to vector<16xi32>
        %parallel_loop3A_150 = arith.shli %parallel_loop3A_145, %broadcast_in_dim3A_5 : vector<16xi32>
        %parallel_loop3A_151 = tpu.bitcast %parallel_loop3A_150 : vector<16xi32> -> vector<16xf32>
        %parallel_loop3A_152 = arith.shli %parallel_loop3A_149, %broadcast_in_dim3A_5 : vector<16xi32>
        %parallel_loop3A_153 = tpu.bitcast %parallel_loop3A_152 : vector<16xi32> -> vector<16xf32>
        %parallel_loop3A_154 = arith.subf %parallel_loop3A_151, %parallel_loop3A_153 : vector<16xf32>
        %parallel_loop3A_155 = arith.mulf %parallel_loop3A_154, %parallel_loop3A_154 : vector<16xf32>
        %parallel_loop3A_156 = arith.addf %parallel_loop3A_134, %parallel_loop3A_155 : vector<16xf32>
        %parallel_loop3A_157 = arith.andi %parallel_loop3A_145, %broadcast_in_dim3A_7 : vector<16xi32>
        %parallel_loop3A_158 = tpu.bitcast %parallel_loop3A_157 : vector<16xi32> -> vector<16xf32>
        %parallel_loop3A_159 = arith.andi %parallel_loop3A_149, %broadcast_in_dim3A_7 : vector<16xi32>
        %parallel_loop3A_160 = tpu.bitcast %parallel_loop3A_159 : vector<16xi32> -> vector<16xf32>
        %parallel_loop3A_161 = arith.subf %parallel_loop3A_158, %parallel_loop3A_160 : vector<16xf32>
        %parallel_loop3A_162 = arith.mulf %parallel_loop3A_161, %parallel_loop3A_161 : vector<16xf32>
        %parallel_loop3A_163 = arith.addf %parallel_loop3A_135, %parallel_loop3A_162 : vector<16xf32>
        %parallel_loop3A_164 = arith.index_cast %parallel_loop3A_133 : i32 to index
        %parallel_loop3A_165 = arith.constant 16 : index
        %parallel_loop3A_166 = tpu.vector_load %arg9[%parallel_loop3A_164, %parallel_loop3A_165] {strides = array<i32>} : memref<80x64xi32, #tpu.memory_space<vmem>>, vector<1x16xi32>,
        %parallel_loop3A_167 = vector.shape_cast %parallel_loop3A_166 : vector<1x16xi32> to vector<16xi32>
        %parallel_loop3A_168 = arith.index_cast %parallel_loop3A_133 : i32 to index
        %parallel_loop3A_169 = arith.constant 16 : index
        %parallel_loop3A_170 = tpu.vector_load %arg10[%parallel_loop3A_168, %parallel_loop3A_169] {strides = array<i32>} : memref<80x64xi32, #tpu.memory_space<vmem>>, vector<1x16xi32>,
        %parallel_loop3A_171 = vector.shape_cast %parallel_loop3A_170 : vector<1x16xi32> to vector<16xi32>
        %parallel_loop3A_172 = arith.shli %parallel_loop3A_167, %broadcast_in_dim3A_5 : vector<16xi32>
        %parallel_loop3A_173 = tpu.bitcast %parallel_loop3A_172 : vector<16xi32> -> vector<16xf32>
        %parallel_loop3A_174 = arith.shli %parallel_loop3A_171, %broadcast_in_dim3A_5 : vector<16xi32>
        %parallel_loop3A_175 = tpu.bitcast %parallel_loop3A_174 : vector<16xi32> -> vector<16xf32>
        %parallel_loop3A_176 = arith.subf %parallel_loop3A_173, %parallel_loop3A_175 : vector<16xf32>
        %parallel_loop3A_177 = arith.mulf %parallel_loop3A_176, %parallel_loop3A_176 : vector<16xf32>
        %parallel_loop3A_178 = arith.addf %parallel_loop3A_136, %parallel_loop3A_177 : vector<16xf32>
        %parallel_loop3A_179 = arith.andi %parallel_loop3A_167, %broadcast_in_dim3A_7 : vector<16xi32>
        %parallel_loop3A_180 = tpu.bitcast %parallel_loop3A_179 : vector<16xi32> -> vector<16xf32>
        %parallel_loop3A_181 = arith.andi %parallel_loop3A_171, %broadcast_in_dim3A_7 : vector<16xi32>
        %parallel_loop3A_182 = tpu.bitcast %parallel_loop3A_181 : vector<16xi32> -> vector<16xf32>
        %parallel_loop3A_183 = arith.subf %parallel_loop3A_180, %parallel_loop3A_182 : vector<16xf32>
        %parallel_loop3A_184 = arith.mulf %parallel_loop3A_183, %parallel_loop3A_183 : vector<16xf32>
        %parallel_loop3A_185 = arith.addf %parallel_loop3A_137, %parallel_loop3A_184 : vector<16xf32>
        %parallel_loop3A_186 = arith.index_cast %parallel_loop3A_133 : i32 to index
        %parallel_loop3A_187 = arith.constant 32 : index
        %parallel_loop3A_188 = tpu.vector_load %arg9[%parallel_loop3A_186, %parallel_loop3A_187] {strides = array<i32>} : memref<80x64xi32, #tpu.memory_space<vmem>>, vector<1x16xi32>,
        %parallel_loop3A_189 = vector.shape_cast %parallel_loop3A_188 : vector<1x16xi32> to vector<16xi32>
        %parallel_loop3A_190 = arith.index_cast %parallel_loop3A_133 : i32 to index
        %parallel_loop3A_191 = arith.constant 32 : index
        %parallel_loop3A_192 = tpu.vector_load %arg10[%parallel_loop3A_190, %parallel_loop3A_191] {strides = array<i32>} : memref<80x64xi32, #tpu.memory_space<vmem>>, vector<1x16xi32>,
        %parallel_loop3A_193 = vector.shape_cast %parallel_loop3A_192 : vector<1x16xi32> to vector<16xi32>
        %parallel_loop3A_194 = arith.shli %parallel_loop3A_189, %broadcast_in_dim3A_5 : vector<16xi32>
        %parallel_loop3A_195 = tpu.bitcast %parallel_loop3A_194 : vector<16xi32> -> vector<16xf32>
        %parallel_loop3A_196 = arith.shli %parallel_loop3A_193, %broadcast_in_dim3A_5 : vector<16xi32>
        %parallel_loop3A_197 = tpu.bitcast %parallel_loop3A_196 : vector<16xi32> -> vector<16xf32>
        %parallel_loop3A_198 = arith.subf %parallel_loop3A_195, %parallel_loop3A_197 : vector<16xf32>
        %parallel_loop3A_199 = arith.mulf %parallel_loop3A_198, %parallel_loop3A_198 : vector<16xf32>
        %parallel_loop3A_200 = arith.addf %parallel_loop3A_138, %parallel_loop3A_199 : vector<16xf32>
        %parallel_loop3A_201 = arith.andi %parallel_loop3A_189, %broadcast_in_dim3A_7 : vector<16xi32>
        %parallel_loop3A_202 = tpu.bitcast %parallel_loop3A_201 : vector<16xi32> -> vector<16xf32>
        %parallel_loop3A_203 = arith.andi %parallel_loop3A_193, %broadcast_in_dim3A_7 : vector<16xi32>
        %parallel_loop3A_204 = tpu.bitcast %parallel_loop3A_203 : vector<16xi32> -> vector<16xf32>
        %parallel_loop3A_205 = arith.subf %parallel_loop3A_202, %parallel_loop3A_204 : vector<16xf32>
        %parallel_loop3A_206 = arith.mulf %parallel_loop3A_205, %parallel_loop3A_205 : vector<16xf32>
        %parallel_loop3A_207 = arith.addf %parallel_loop3A_139, %parallel_loop3A_206 : vector<16xf32>
        %parallel_loop3A_208 = arith.index_cast %parallel_loop3A_133 : i32 to index
        %parallel_loop3A_209 = arith.constant 48 : index
        %parallel_loop3A_210 = tpu.vector_load %arg9[%parallel_loop3A_208, %parallel_loop3A_209] {strides = array<i32>} : memref<80x64xi32, #tpu.memory_space<vmem>>, vector<1x16xi32>,
        %parallel_loop3A_211 = vector.shape_cast %parallel_loop3A_210 : vector<1x16xi32> to vector<16xi32>
        %parallel_loop3A_212 = arith.index_cast %parallel_loop3A_133 : i32 to index
        %parallel_loop3A_213 = arith.constant 48 : index
        %parallel_loop3A_214 = tpu.vector_load %arg10[%parallel_loop3A_212, %parallel_loop3A_213] {strides = array<i32>} : memref<80x64xi32, #tpu.memory_space<vmem>>, vector<1x16xi32>,
        %parallel_loop3A_215 = vector.shape_cast %parallel_loop3A_214 : vector<1x16xi32> to vector<16xi32>
        %parallel_loop3A_216 = arith.shli %parallel_loop3A_211, %broadcast_in_dim3A_5 : vector<16xi32>
        %parallel_loop3A_217 = tpu.bitcast %parallel_loop3A_216 : vector<16xi32> -> vector<16xf32>
        %parallel_loop3A_218 = arith.shli %parallel_loop3A_215, %broadcast_in_dim3A_5 : vector<16xi32>
        %parallel_loop3A_219 = tpu.bitcast %parallel_loop3A_218 : vector<16xi32> -> vector<16xf32>
        %parallel_loop3A_220 = arith.subf %parallel_loop3A_217, %parallel_loop3A_219 : vector<16xf32>
        %parallel_loop3A_221 = arith.mulf %parallel_loop3A_220, %parallel_loop3A_220 : vector<16xf32>
        %parallel_loop3A_222 = arith.addf %parallel_loop3A_140, %parallel_loop3A_221 : vector<16xf32>
        %parallel_loop3A_223 = arith.andi %parallel_loop3A_211, %broadcast_in_dim3A_7 : vector<16xi32>
        %parallel_loop3A_224 = tpu.bitcast %parallel_loop3A_223 : vector<16xi32> -> vector<16xf32>
        %parallel_loop3A_225 = arith.andi %parallel_loop3A_215, %broadcast_in_dim3A_7 : vector<16xi32>
        %parallel_loop3A_226 = tpu.bitcast %parallel_loop3A_225 : vector<16xi32> -> vector<16xf32>
        %parallel_loop3A_227 = arith.subf %parallel_loop3A_224, %parallel_loop3A_226 : vector<16xf32>
        %parallel_loop3A_228 = arith.mulf %parallel_loop3A_227, %parallel_loop3A_227 : vector<16xf32>
        %parallel_loop3A_229 = arith.addf %parallel_loop3A_141, %parallel_loop3A_228 : vector<16xf32>
        scf.yield %parallel_loop3A_156, %parallel_loop3A_163, %parallel_loop3A_178, %parallel_loop3A_185, %parallel_loop3A_200, %parallel_loop3A_207, %parallel_loop3A_222, %parallel_loop3A_229 : vector<16xf32>, vector<16xf32>, vector<16xf32>, vector<16xf32>, vector<16xf32>, vector<16xf32>, vector<16xf32>, vector<16xf32>
      } {sc.loop_unroll_factor = 4 : i64, sc.parallel_access}
      %add3A_129 = arith.constant 2 : i32
      %add3A_130 = arith.addi %add3A_82, %add3A_129 : i32
      %lt3A = arith.constant 125 : i32
      %lt3A_131 = arith.cmpi slt, %add3A_130, %lt3A : i32
      %convert_element_type3A = arith.extui %lt3A_131 : i1 to i32
      %cond3A = arith.constant 0 : i32
      %cond3A_132 = arith.cmpi ne, %convert_element_type3A, %cond3A : i32
      scf.if %cond3A_132 {
        %add3A_133 = arith.constant 2 : i32
        %add3A_134 = arith.addi %add3A_82, %add3A_133 : i32
        %mul3A_135 = arith.constant 80 : i32
        %mul3A_136 = arith.muli %add3A_134, %mul3A_135 : i32
        %dma_start3A_137 = tpu.memref_slice %arg5[%mul3A_136] : memref<10000xi32, #tpu.memory_space<vmem>> -> memref<80xi32, #tpu.memory_space<vmem>>
        %dma_start3A_138 = arith.constant 0 : i32
        %dma_start3A_139 = arith.constant 0 : i32
        %dma_start3A_140 = tpu.memref_slice %arg2[%dma_start3A_138, %dma_start3A_139] : memref<10000x64xi32, #tpu.memory_space<hbm>> -> memref<10000x64xi32, #tpu.memory_space<hbm>>
        tpu.enqueue_indirect_dma source(%dma_start3A_140 : memref<10000x64xi32, #tpu.memory_space<hbm>>) target(%arg9 : memref<80x64xi32, #tpu.memory_space<vmem>>) offsets(%dma_start3A_137 : memref<80xi32, #tpu.memory_space<vmem>>) semaphore(%arg14 : memref<!tpu.dma_semaphore, #tpu.memory_space<semaphore_mem>>)
        %mul3A_141 = arith.constant 80 : i32
        %mul3A_142 = arith.muli %add3A_134, %mul3A_141 : i32
        %dma_start3A_143 = tpu.memref_slice %arg6[%mul3A_142] : memref<10000xi32, #tpu.memory_space<vmem>> -> memref<80xi32, #tpu.memory_space<vmem>>
        %dma_start3A_144 = arith.constant 0 : i32
        %dma_start3A_145 = arith.constant 0 : i32
        %dma_start3A_146 = tpu.memref_slice %arg2[%dma_start3A_144, %dma_start3A_145] : memref<10000x64xi32, #tpu.memory_space<hbm>> -> memref<10000x64xi32, #tpu.memory_space<hbm>>
        tpu.enqueue_indirect_dma source(%dma_start3A_146 : memref<10000x64xi32, #tpu.memory_space<hbm>>) target(%arg10 : memref<80x64xi32, #tpu.memory_space<vmem>>) offsets(%dma_start3A_143 : memref<80xi32, #tpu.memory_space<vmem>>) semaphore(%arg15 : memref<!tpu.dma_semaphore, #tpu.memory_space<semaphore_mem>>)
      } else {
      }
      scf.yield %parallel_loop3A_128#0, %parallel_loop3A_128#1, %parallel_loop3A_128#2, %parallel_loop3A_128#3, %parallel_loop3A_128#4, %parallel_loop3A_128#5, %parallel_loop3A_128#6, %parallel_loop3A_128#7 : vector<16xf32>, vector<16xf32>, vector<16xf32>, vector<16xf32>, vector<16xf32>, vector<16xf32>, vector<16xf32>, vector<16xf32>
    }
    %scan3A_47 = arith.constant 62 : i32
    %dma_wait3A = arith.constant 9920 : i32
    %dma_wait3A_48 = tpu.memref_slice %arg5[%dma_wait3A] : memref<10000xi32, #tpu.memory_space<vmem>> -> memref<80xi32, #tpu.memory_space<vmem>>
    %dma_wait3A_49 = arith.constant 0 : i32
    %dma_wait3A_50 = arith.constant 0 : i32
    %dma_wait3A_51 = tpu.memref_slice %arg2[%dma_wait3A_49, %dma_wait3A_50] : memref<10000x64xi32, #tpu.memory_space<hbm>> -> memref<10000x64xi32, #tpu.memory_space<hbm>>
    tpu.wait_indirect_dma semaphore(%arg12 : memref<!tpu.dma_semaphore, #tpu.memory_space<semaphore_mem>>) src(%dma_wait3A_51 : memref<10000x64xi32, #tpu.memory_space<hbm>>) dst(%arg7 : memref<80x64xi32, #tpu.memory_space<vmem>>)
    %dma_wait3A_52 = arith.constant 9920 : i32
    %dma_wait3A_53 = tpu.memref_slice %arg6[%dma_wait3A_52] : memref<10000xi32, #tpu.memory_space<vmem>> -> memref<80xi32, #tpu.memory_space<vmem>>
    %dma_wait3A_54 = arith.constant 0 : i32
    %dma_wait3A_55 = arith.constant 0 : i32
    %dma_wait3A_56 = tpu.memref_slice %arg2[%dma_wait3A_54, %dma_wait3A_55] : memref<10000x64xi32, #tpu.memory_space<hbm>> -> memref<10000x64xi32, #tpu.memory_space<hbm>>
    tpu.wait_indirect_dma semaphore(%arg13 : memref<!tpu.dma_semaphore, #tpu.memory_space<semaphore_mem>>) src(%dma_wait3A_56 : memref<10000x64xi32, #tpu.memory_space<hbm>>) dst(%arg8 : memref<80x64xi32, #tpu.memory_space<vmem>>)
    %parallel_loop3A = arith.constant 0 : i32
    %parallel_loop3A_57 = arith.constant 80 : i32
    %parallel_loop3A_58 = arith.constant 1 : i32
    %parallel_loop3A_59:8 = scf.for %parallel_loop3A_70 = %parallel_loop3A to %parallel_loop3A_57 step %parallel_loop3A_58 iter_args(%parallel_loop3A_71 = %scan3A_46#0, %parallel_loop3A_72 = %scan3A_46#1, %parallel_loop3A_73 = %scan3A_46#2, %parallel_loop3A_74 = %scan3A_46#3, %parallel_loop3A_75 = %scan3A_46#4, %parallel_loop3A_76 = %scan3A_46#5, %parallel_loop3A_77 = %scan3A_46#6, %parallel_loop3A_78 = %scan3A_46#7) -> (vector<16xf32>, vector<16xf32>, vector<16xf32>, vector<16xf32>, vector<16xf32>, vector<16xf32>, vector<16xf32>, vector<16xf32>)  : i32 {
      %parallel_loop3A_79 = arith.index_cast %parallel_loop3A_70 : i32 to index
      %parallel_loop3A_80 = arith.constant 0 : index
      %parallel_loop3A_81 = tpu.vector_load %arg7[%parallel_loop3A_79, %parallel_loop3A_80] {strides = array<i32>} : memref<80x64xi32, #tpu.memory_space<vmem>>, vector<1x16xi32>,
      %parallel_loop3A_82 = vector.shape_cast %parallel_loop3A_81 : vector<1x16xi32> to vector<16xi32>
      %parallel_loop3A_83 = arith.index_cast %parallel_loop3A_70 : i32 to index
      %parallel_loop3A_84 = arith.constant 0 : index
      %parallel_loop3A_85 = tpu.vector_load %arg8[%parallel_loop3A_83, %parallel_loop3A_84] {strides = array<i32>} : memref<80x64xi32, #tpu.memory_space<vmem>>, vector<1x16xi32>,
      %parallel_loop3A_86 = vector.shape_cast %parallel_loop3A_85 : vector<1x16xi32> to vector<16xi32>
      %parallel_loop3A_87 = arith.shli %parallel_loop3A_82, %broadcast_in_dim3A_5 : vector<16xi32>
      %parallel_loop3A_88 = tpu.bitcast %parallel_loop3A_87 : vector<16xi32> -> vector<16xf32>
      %parallel_loop3A_89 = arith.shli %parallel_loop3A_86, %broadcast_in_dim3A_5 : vector<16xi32>
      %parallel_loop3A_90 = tpu.bitcast %parallel_loop3A_89 : vector<16xi32> -> vector<16xf32>
      %parallel_loop3A_91 = arith.subf %parallel_loop3A_88, %parallel_loop3A_90 : vector<16xf32>
      %parallel_loop3A_92 = arith.mulf %parallel_loop3A_91, %parallel_loop3A_91 : vector<16xf32>
      %parallel_loop3A_93 = arith.addf %parallel_loop3A_71, %parallel_loop3A_92 : vector<16xf32>
      %parallel_loop3A_94 = arith.andi %parallel_loop3A_82, %broadcast_in_dim3A_7 : vector<16xi32>
      %parallel_loop3A_95 = tpu.bitcast %parallel_loop3A_94 : vector<16xi32> -> vector<16xf32>
      %parallel_loop3A_96 = arith.andi %parallel_loop3A_86, %broadcast_in_dim3A_7 : vector<16xi32>
      %parallel_loop3A_97 = tpu.bitcast %parallel_loop3A_96 : vector<16xi32> -> vector<16xf32>
      %parallel_loop3A_98 = arith.subf %parallel_loop3A_95, %parallel_loop3A_97 : vector<16xf32>
      %parallel_loop3A_99 = arith.mulf %parallel_loop3A_98, %parallel_loop3A_98 : vector<16xf32>
      %parallel_loop3A_100 = arith.addf %parallel_loop3A_72, %parallel_loop3A_99 : vector<16xf32>
      %parallel_loop3A_101 = arith.index_cast %parallel_loop3A_70 : i32 to index
      %parallel_loop3A_102 = arith.constant 16 : index
      %parallel_loop3A_103 = tpu.vector_load %arg7[%parallel_loop3A_101, %parallel_loop3A_102] {strides = array<i32>} : memref<80x64xi32, #tpu.memory_space<vmem>>, vector<1x16xi32>,
      %parallel_loop3A_104 = vector.shape_cast %parallel_loop3A_103 : vector<1x16xi32> to vector<16xi32>
      %parallel_loop3A_105 = arith.index_cast %parallel_loop3A_70 : i32 to index
      %parallel_loop3A_106 = arith.constant 16 : index
      %parallel_loop3A_107 = tpu.vector_load %arg8[%parallel_loop3A_105, %parallel_loop3A_106] {strides = array<i32>} : memref<80x64xi32, #tpu.memory_space<vmem>>, vector<1x16xi32>,
      %parallel_loop3A_108 = vector.shape_cast %parallel_loop3A_107 : vector<1x16xi32> to vector<16xi32>
      %parallel_loop3A_109 = arith.shli %parallel_loop3A_104, %broadcast_in_dim3A_5 : vector<16xi32>
      %parallel_loop3A_110 = tpu.bitcast %parallel_loop3A_109 : vector<16xi32> -> vector<16xf32>
      %parallel_loop3A_111 = arith.shli %parallel_loop3A_108, %broadcast_in_dim3A_5 : vector<16xi32>
      %parallel_loop3A_112 = tpu.bitcast %parallel_loop3A_111 : vector<16xi32> -> vector<16xf32>
      %parallel_loop3A_113 = arith.subf %parallel_loop3A_110, %parallel_loop3A_112 : vector<16xf32>
      %parallel_loop3A_114 = arith.mulf %parallel_loop3A_113, %parallel_loop3A_113 : vector<16xf32>
      %parallel_loop3A_115 = arith.addf %parallel_loop3A_73, %parallel_loop3A_114 : vector<16xf32>
      %parallel_loop3A_116 = arith.andi %parallel_loop3A_104, %broadcast_in_dim3A_7 : vector<16xi32>
      %parallel_loop3A_117 = tpu.bitcast %parallel_loop3A_116 : vector<16xi32> -> vector<16xf32>
      %parallel_loop3A_118 = arith.andi %parallel_loop3A_108, %broadcast_in_dim3A_7 : vector<16xi32>
      %parallel_loop3A_119 = tpu.bitcast %parallel_loop3A_118 : vector<16xi32> -> vector<16xf32>
      %parallel_loop3A_120 = arith.subf %parallel_loop3A_117, %parallel_loop3A_119 : vector<16xf32>
      %parallel_loop3A_121 = arith.mulf %parallel_loop3A_120, %parallel_loop3A_120 : vector<16xf32>
      %parallel_loop3A_122 = arith.addf %parallel_loop3A_74, %parallel_loop3A_121 : vector<16xf32>
      %parallel_loop3A_123 = arith.index_cast %parallel_loop3A_70 : i32 to index
      %parallel_loop3A_124 = arith.constant 32 : index
      %parallel_loop3A_125 = tpu.vector_load %arg7[%parallel_loop3A_123, %parallel_loop3A_124] {strides = array<i32>} : memref<80x64xi32, #tpu.memory_space<vmem>>, vector<1x16xi32>,
      %parallel_loop3A_126 = vector.shape_cast %parallel_loop3A_125 : vector<1x16xi32> to vector<16xi32>
      %parallel_loop3A_127 = arith.index_cast %parallel_loop3A_70 : i32 to index
      %parallel_loop3A_128 = arith.constant 32 : index
      %parallel_loop3A_129 = tpu.vector_load %arg8[%parallel_loop3A_127, %parallel_loop3A_128] {strides = array<i32>} : memref<80x64xi32, #tpu.memory_space<vmem>>, vector<1x16xi32>,
      %parallel_loop3A_130 = vector.shape_cast %parallel_loop3A_129 : vector<1x16xi32> to vector<16xi32>
      %parallel_loop3A_131 = arith.shli %parallel_loop3A_126, %broadcast_in_dim3A_5 : vector<16xi32>
      %parallel_loop3A_132 = tpu.bitcast %parallel_loop3A_131 : vector<16xi32> -> vector<16xf32>
      %parallel_loop3A_133 = arith.shli %parallel_loop3A_130, %broadcast_in_dim3A_5 : vector<16xi32>
      %parallel_loop3A_134 = tpu.bitcast %parallel_loop3A_133 : vector<16xi32> -> vector<16xf32>
      %parallel_loop3A_135 = arith.subf %parallel_loop3A_132, %parallel_loop3A_134 : vector<16xf32>
      %parallel_loop3A_136 = arith.mulf %parallel_loop3A_135, %parallel_loop3A_135 : vector<16xf32>
      %parallel_loop3A_137 = arith.addf %parallel_loop3A_75, %parallel_loop3A_136 : vector<16xf32>
      %parallel_loop3A_138 = arith.andi %parallel_loop3A_126, %broadcast_in_dim3A_7 : vector<16xi32>
      %parallel_loop3A_139 = tpu.bitcast %parallel_loop3A_138 : vector<16xi32> -> vector<16xf32>
      %parallel_loop3A_140 = arith.andi %parallel_loop3A_130, %broadcast_in_dim3A_7 : vector<16xi32>
      %parallel_loop3A_141 = tpu.bitcast %parallel_loop3A_140 : vector<16xi32> -> vector<16xf32>
      %parallel_loop3A_142 = arith.subf %parallel_loop3A_139, %parallel_loop3A_141 : vector<16xf32>
      %parallel_loop3A_143 = arith.mulf %parallel_loop3A_142, %parallel_loop3A_142 : vector<16xf32>
      %parallel_loop3A_144 = arith.addf %parallel_loop3A_76, %parallel_loop3A_143 : vector<16xf32>
      %parallel_loop3A_145 = arith.index_cast %parallel_loop3A_70 : i32 to index
      %parallel_loop3A_146 = arith.constant 48 : index
      %parallel_loop3A_147 = tpu.vector_load %arg7[%parallel_loop3A_145, %parallel_loop3A_146] {strides = array<i32>} : memref<80x64xi32, #tpu.memory_space<vmem>>, vector<1x16xi32>,
      %parallel_loop3A_148 = vector.shape_cast %parallel_loop3A_147 : vector<1x16xi32> to vector<16xi32>
      %parallel_loop3A_149 = arith.index_cast %parallel_loop3A_70 : i32 to index
      %parallel_loop3A_150 = arith.constant 48 : index
      %parallel_loop3A_151 = tpu.vector_load %arg8[%parallel_loop3A_149, %parallel_loop3A_150] {strides = array<i32>} : memref<80x64xi32, #tpu.memory_space<vmem>>, vector<1x16xi32>,
      %parallel_loop3A_152 = vector.shape_cast %parallel_loop3A_151 : vector<1x16xi32> to vector<16xi32>
      %parallel_loop3A_153 = arith.shli %parallel_loop3A_148, %broadcast_in_dim3A_5 : vector<16xi32>
      %parallel_loop3A_154 = tpu.bitcast %parallel_loop3A_153 : vector<16xi32> -> vector<16xf32>
      %parallel_loop3A_155 = arith.shli %parallel_loop3A_152, %broadcast_in_dim3A_5 : vector<16xi32>
      %parallel_loop3A_156 = tpu.bitcast %parallel_loop3A_155 : vector<16xi32> -> vector<16xf32>
      %parallel_loop3A_157 = arith.subf %parallel_loop3A_154, %parallel_loop3A_156 : vector<16xf32>
      %parallel_loop3A_158 = arith.mulf %parallel_loop3A_157, %parallel_loop3A_157 : vector<16xf32>
      %parallel_loop3A_159 = arith.addf %parallel_loop3A_77, %parallel_loop3A_158 : vector<16xf32>
      %parallel_loop3A_160 = arith.andi %parallel_loop3A_148, %broadcast_in_dim3A_7 : vector<16xi32>
      %parallel_loop3A_161 = tpu.bitcast %parallel_loop3A_160 : vector<16xi32> -> vector<16xf32>
      %parallel_loop3A_162 = arith.andi %parallel_loop3A_152, %broadcast_in_dim3A_7 : vector<16xi32>
      %parallel_loop3A_163 = tpu.bitcast %parallel_loop3A_162 : vector<16xi32> -> vector<16xf32>
      %parallel_loop3A_164 = arith.subf %parallel_loop3A_161, %parallel_loop3A_163 : vector<16xf32>
      %parallel_loop3A_165 = arith.mulf %parallel_loop3A_164, %parallel_loop3A_164 : vector<16xf32>
      %parallel_loop3A_166 = arith.addf %parallel_loop3A_78, %parallel_loop3A_165 : vector<16xf32>
      scf.yield %parallel_loop3A_93, %parallel_loop3A_100, %parallel_loop3A_115, %parallel_loop3A_122, %parallel_loop3A_137, %parallel_loop3A_144, %parallel_loop3A_159, %parallel_loop3A_166 : vector<16xf32>, vector<16xf32>, vector<16xf32>, vector<16xf32>, vector<16xf32>, vector<16xf32>, vector<16xf32>, vector<16xf32>
    } {sc.loop_unroll_factor = 4 : i64, sc.parallel_access}
    %add3A_60 = arith.addf %parallel_loop3A_59#0, %parallel_loop3A_59#1 : vector<16xf32>
    %add3A_61 = arith.addf %parallel_loop3A_59#2, %parallel_loop3A_59#3 : vector<16xf32>
    %add3A_62 = arith.addf %add3A_60, %add3A_61 : vector<16xf32>
    %add3A_63 = arith.addf %parallel_loop3A_59#4, %parallel_loop3A_59#5 : vector<16xf32>
    %add3A_64 = arith.addf %parallel_loop3A_59#6, %parallel_loop3A_59#7 : vector<16xf32>
    %add3A_65 = arith.addf %add3A_63, %add3A_64 : vector<16xf32>
    %add3A_66 = arith.addf %add3A_62, %add3A_65 : vector<16xf32>
    %swap3A = arith.constant 0 : index
    %swap3A_67 = tpu.vector_load %arg11[%swap3A] {strides = array<i32>} : memref<16xf32, #tpu.memory_space<vmem>>, vector<16xf32>,
    %swap3A_68 = vector.shape_cast %swap3A_67 : vector<16xf32> to vector<16xf32>
    %swap3A_69 = vector.shape_cast %add3A_66 : vector<16xf32> to vector<16xf32>
    tpu.vector_store %arg11[%swap3A], %swap3A_69 {strides = array<i32>} : memref<16xf32, #tpu.memory_space<vmem>>, vector<16xf32>,
    "tpu.region"() ({
      %run_scoped3A = tpu.sem_alloc : memref<!tpu.dma_semaphore, #tpu.memory_space<semaphore_mem>>
      %dma_start3A_70 = arith.constant 0 : i32
      %dma_start3A_71 = tpu.memref_slice %arg4[%add3A, %dma_start3A_70] : memref<32x16xf32, #tpu.memory_space<hbm>> -> memref<1x16xf32, #tpu.memory_space<hbm>>
      %dma_start3A_72 = tpu.memref_squeeze %dma_start3A_71 : memref<1x16xf32, #tpu.memory_space<hbm>> -> memref<16xf32, #tpu.memory_space<hbm>>
      %dma_start3A_73 = arith.constant 0 : i32
      %dma_start3A_74 = tpu.memref_slice %arg4[%add3A, %dma_start3A_73] : memref<32x16xf32, #tpu.memory_space<hbm>> -> memref<1x16xf32, #tpu.memory_space<hbm>>
      %dma_start3A_75 = tpu.memref_squeeze %dma_start3A_74 : memref<1x16xf32, #tpu.memory_space<hbm>> -> memref<16xf32, #tpu.memory_space<hbm>>
      tpu.enqueue_dma source(%arg11 : memref<16xf32, #tpu.memory_space<vmem>>) target(%dma_start3A_75 : memref<16xf32, #tpu.memory_space<hbm>>) target_semaphore(%run_scoped3A : memref<!tpu.dma_semaphore, #tpu.memory_space<semaphore_mem>>)
      %dma_wait3A_76 = arith.constant 0 : i32
      %dma_wait3A_77 = tpu.memref_slice %arg4[%add3A, %dma_wait3A_76] : memref<32x16xf32, #tpu.memory_space<hbm>> -> memref<1x16xf32, #tpu.memory_space<hbm>>
      %dma_wait3A_78 = tpu.memref_squeeze %dma_wait3A_77 : memref<1x16xf32, #tpu.memory_space<hbm>> -> memref<16xf32, #tpu.memory_space<hbm>>
      %dma_wait3A_79 = arith.constant 0 : i32
      %dma_wait3A_80 = tpu.memref_slice %arg4[%add3A, %dma_wait3A_79] : memref<32x16xf32, #tpu.memory_space<hbm>> -> memref<1x16xf32, #tpu.memory_space<hbm>>
      %dma_wait3A_81 = tpu.memref_squeeze %dma_wait3A_80 : memref<1x16xf32, #tpu.memory_space<hbm>> -> memref<16xf32, #tpu.memory_space<hbm>>
      tpu.wait_dma2 semaphore(%run_scoped3A : memref<!tpu.dma_semaphore, #tpu.memory_space<semaphore_mem>>) src(%arg11 : memref<16xf32, #tpu.memory_space<vmem>>) dst(%dma_wait3A_81 : memref<16xf32, #tpu.memory_space<hbm>>)
      tpu.yield
    }) : () -> ()
    return
  }
}

</mosaic_0001>

<sc_bundles>
// kernel: kernel.3.cloned.1.call-start
scs
__scs_entry_jumppad:
0x0: {  	(pc) =	sbr.rel $0x88, $3  }
0x1: {  	(tag) =	ssettag $0x0;
	lr =	simm.s32 $0x1  }
0x2: {  	[smem:$0x3F9F] =	sst lr;
	_ =	strace $0xD0000000  }
0x3: {  	_ = 	snop  }
0x4: {  	_ = 	snop  }
0x5: {  	_ = 	snop  }
0x6: {  	_ = 	snop  }
0x7: {  	_ = 	snop  }
__scs_overlays_trampoline_lowered:
0x8: {  	[smem:$0x3FAE] =	sst s0  }
0x9: {  	[smem:$0x3FAF] =	sst s1  }
0xa: {  	[smem:$0x3FB0] =	sst s2  }
0xb: {  	[smem:$0x3FB1] =	sst s3  }
0xc: {  	[smem:$0x3FB2] =	sst s4  }
0xd: {  	[smem:$0x3FB3] =	sst s5  }
0xe: {  	[smem:$0x3FB4] =	sst s6  }
0xf: {  	[smem:$0x3FB5] =	sst s7  }
0x10: {  	[smem:$0x3FB6] =	sst s8  }
0x11: {  	[smem:$0x3FB7] =	sst s9;
	s0 =	simm.s32 @!p0 $0x0  }
0x12: {  	s1 =	sld [smem:$0x3F9D];
	s0 =	simm.s32 @p0 $0x1  }
0x13: {  	[smem:$0x3FB8] =	sst s0;
	s0 =	simm.s32 @!p1 $0x0  }
0x14: {  	s2 =	sld [smem:$0x3F9C];
	s0 =	simm.s32 @p1 $0x1  }
0x15: {  	[smem:$0x3FB9] =	sst s0;
	s0 =	simm.s32 @!p2 $0x0  }
0x16: {  	s3 =	sld [smem:$0x3FDB];
	s0 =	simm.s32 @p2 $0x1  }
0x17: {  	s4 =	simm.s32 $0x1BF5;
	[smem:$0x3FBB] =	sst s0  }
0x18: {  	s0 =	sld [smem:$0x3F9E];
	_ =	swait.ge [sflag:s4], $0x0  }
0x19: {  	s7 =	sld [smem:$0x3F9F]  }
0x1a: {  	s8 =	sadd.s32 $0xFFFFE003, lr  }
0x1b: {  	s9 =	sadd.s32 $0xFFFFFEF7, lr;
	s5 =	simm.s32 $0xFFFFFFFF;
	p2 =	slt.u32 s8, $0xFFFFF086  }
0x1c: {  	p1 =	slt.u32 s9, $0xF7A;
	s5 =	simm.s32 @!p2 $0x0  }
0x1d: {  	s5 =	simm.s32 @p1 $0x1;
	p0 =	seq.s32 s7, s2  }
0x1e: {  	s7 =	smul.u32 @!p0 $0xF7A, s2;
	p2 =	seq.s32 @!p0 s5, $0x0  }
0x1f: {  	s9 =	smul.u32 $0xF7A, s1;
	s8 =	simm.s32 @!p0 $0x1BF5;
	p2 =	por !p2, p0  }
0x20: {  	[sflag:s8] =	ssyncset.s32 @!p0 $0xFFFFF086;
	s6 =	sadd.s32 @!p0 s3, s7;
	s7 =	simm.s32 @!p0 $0x108  }
0x21: {  	s3 =	sadd.s32 s3, s9;
	s6 =	sadd.s32 @!p0 $0x88, s6;
	s7 =	simm.s32 @p2 $0x1082  }
0x22: {  	[simem:s7], [sflag:s8] =	dma.local @!p0 [hbm:s6], $0xF7A  }
0x23: {  	s9 =	sor.u32 $0xD0000000, s2;
	s6 =	simm.s32 $0x108;
	_ =	swait.ge @!p0 [sflag:s8], $0x0  }
0x24: {  	s3 =	sadd.s32 $0x88, s3;
	s6 =	simm.s32 @!p1 $0x1082;
	[sflag:s4] =	ssyncset.s32 $0xFFFFF086  }
0x25: {  	[simem:s6], [sflag:s4] =	dma.local [hbm:s3], $0xF7A  }
0x26: {  	[smem:$0x3F9F] =	sst s1;
	(tag) =	ssettag s2;
	_ =	strace s9  }
0x27: {  	s1 =	sld [smem:$0x3FAF]  }
0x28: {  	s2 =	sld [smem:$0x3FB0]  }
0x29: {  	s4 =	sld [smem:$0x3FB2]  }
0x2a: {  	p0 =	seq.s32 s5, $0x0;
	s5 =	sld [smem:$0x3FB3]  }
0x2b: {  	s6 =	sld [smem:$0x3FB4]  }
0x2c: {  	s7 =	sld [smem:$0x3FB5]  }
0x2d: {  	s3 =	simm.s32 $0x108;
	s8 =	sld [smem:$0x3FB6]  }
0x2e: {  	s3 =	simm.s32 @!p0 $0x1082;
	s9 =	sld [smem:$0x3FB7]  }
0x2f: {  	lr =	sadd.s32 s0, s3;
	s0 =	sld [smem:$0x3FAE]  }
0x30: {  	s3 =	sld [smem:$0x3FB1]  }
0x31: {  	[smem:$0x3FBA] =	sst s10  }
0x32: {  	s10 =	sld [smem:$0x3FB8];
	_ =	sdelay $0x3  }
0x33: {  	p0 =	seq.s32 s10, $0x1;
	s10 =	sld [smem:$0x3FBA];
	_ =	sdelay $0x3  }
0x34: {  	[smem:$0x3FBA] =	sst s10  }
0x35: {  	s10 =	sld [smem:$0x3FB9];
	_ =	sdelay $0x3  }
0x36: {  	p1 =	seq.s32 s10, $0x1;
	s10 =	sld [smem:$0x3FBA];
	_ =	sdelay $0x3  }
0x37: {  	[smem:$0x3FBA] =	sst s10  }
0x38: {  	s10 =	sld [smem:$0x3FBB]  }
0x39: {  	_ = 	snop;
	(pc) =	sbr.ind lr, $3  }
0x3a: {  	_ = 	snop  }
0x3b: {  	_ = 	snop  }
0x3c: {  	p2 =	seq.s32 s10, $0x1;
	s10 =	sld [smem:$0x3FBA]  }
0x3d: {  	_ =	shalt  }
0x3e: {  	_ =	shalt  }
0x3f: {  	_ =	shalt  }
0x40: {  	_ =	shalt  }
0x41: {  	_ =	shalt  }
0x42: {  	_ =	shalt  }
0x43: {  	_ =	shalt  }
0x44: {  	_ =	shalt  }
0x45: {  	_ =	shalt  }
0x46: {  	_ =	shalt  }
0x47: {  	_ =	shalt  }
0x48: {  	_ =	shalt  }
0x49: {  	_ =	shalt  }
0x4a: {  	_ =	shalt  }
0x4b: {  	_ =	shalt  }
0x4c: {  	_ =	shalt  }
0x4d: {  	_ =	shalt  }
0x4e: {  	_ =	shalt  }
0x4f: {  	_ =	shalt  }
0x50: {  	_ =	shalt  }
0x51: {  	_ =	shalt  }
0x52: {  	_ =	shalt  }
0x53: {  	_ =	shalt  }
0x54: {  	_ =	shalt  }
0x55: {  	_ =	shalt  }
0x56: {  	_ =	shalt  }
0x57: {  	_ =	shalt  }
0x58: {  	_ =	shalt  }
0x59: {  	_ =	shalt  }
0x5a: {  	_ =	shalt  }
0x5b: {  	_ =	shalt  }
0x5c: {  	_ =	shalt  }
0x5d: {  	_ =	shalt  }
0x5e: {  	_ =	shalt  }
0x5f: {  	_ =	shalt  }
0x60: {  	_ =	shalt  }
0x61: {  	_ =	shalt  }
0x62: {  	_ =	shalt  }
0x63: {  	_ =	shalt  }
0x64: {  	_ =	shalt  }
0x65: {  	_ =	shalt  }
0x66: {  	_ =	shalt  }
0x67: {  	_ =	shalt  }
0x68: {  	_ =	shalt  }
0x69: {  	_ =	shalt  }
0x6a: {  	_ =	shalt  }
0x6b: {  	_ =	shalt  }
0x6c: {  	_ =	shalt  }
0x6d: {  	_ =	shalt  }
0x6e: {  	_ =	shalt  }
0x6f: {  	_ =	shalt  }
0x70: {  	_ =	shalt  }
0x71: {  	_ =	shalt  }
0x72: {  	_ =	shalt  }
0x73: {  	_ =	shalt  }
0x74: {  	_ =	shalt  }
0x75: {  	_ =	shalt  }
0x76: {  	_ =	shalt  }
0x77: {  	_ =	shalt  }
0x78: {  	_ =	shalt  }
0x79: {  	_ =	shalt  }
0x7a: {  	_ =	shalt  }
0x7b: {  	_ =	shalt  }
0x7c: {  	_ =	shalt  }
0x7d: {  	_ =	shalt  }
0x7e: {  	_ =	shalt  }
0x7f: {  	_ =	shalt  }
0x80: {  	_ =	shalt  }
0x81: {  	_ =	shalt  }
0x82: {  	_ =	shalt  }
0x83: {  	_ =	shalt  }
0x84: {  	_ =	shalt  }
0x85: {  	_ =	shalt  }
0x86: {  	_ =	shalt  }
0x87: {  	_ =	shalt  }
.Lfunc_end0:
.L_simem_size_0:
called_computation_lowered:
.L_overlay_start_0:
0x88: {  	s2 =	sld [smem:$0x3FD9]  }
0x89: {  	s3 =	sld [smem:$0x3FFE];
	_ =	sdelay $0x1  }
0x8a: {  	s1 =	srdreg.scid  }
0x8b: {  	s0 =	sand.u32 $0x1, s1  }
0x8c: {  	s16 =	sshll.u32 s0, $0xA;
	s2 =	sadd.s32 s3, s2  }
0x8d: {  	s2 =	sadd.s32 s2, s16  }
0x8e: {  	[smem:$0x3FC6] =	sst s2  }
0x8f: {  	_ = 	snop  }
0x90: {  	(tm) =	ssettm $0x1  }
0x91: {  	s17 =	sld [smem:$0x3FFB];
	_ =	sdelay $0x3  }
0x92: {  	_ =	strace s17  }
0x93: {  	s2 =	sld [smem:$0x3FFC];
	_ =	sdelay $0x3  }
0x94: {  	_ =	strace s2  }
0x95: {  	s2 =	sld [smem:$0x3FFD];
	_ =	sdelay $0x3  }
0x96: {  	_ =	strace s2  }
0x97: {  	_ =	strace $0x8FFFFFFF  }
0x98: {  	s18 =	sld [smem:$0x3FDB];
	_ =	sdelay $0x1  }
0x99: {  	s19 =	simm.s32 $_scs_section_size  }
0x9a: {  	s4 =	simm.s32 $_size__tile_overlayer_lowered;
	s5 =	simm.s32 $_tile_overlayer_lowered  }
0x9b: {  	s22 =	simm.s32 $0x1BFF;
	s21 =	sshll.u32 s5, $0x1;
	s2 =	sadd.s32 s19, s18  }
0x9c: {  	s6 =	simm.s32 $0x0;
	s20 =	sshll.u32 s4, $0x1;
	s4 =	sadd.s32 s21, s2  }
0x9d: {  	[timem:s6], [sflag:s22] =	dma.local [hbm:s4], s20  }
0x9e: {  	_ =	swait.ge [sflag:s22], s20  }
0x9f: {  	s3 =	ssub.s32 $0x0, s20;
	[sflag:s22] =	ssyncset.done $0x0  }
0xa0: {  	[sflag:s22] =	ssyncadd.s32 s3;
	_ =	sdelay $0x1  }
0xa1: {  	s23 =	simm.s32 $0x1B8B  }
0xa2: {  	_ =	swait.ge [sflag:s23], $0x1  }
0xa3: {  	[sflag:s23] =	ssyncset.done $0x0  }
0xa4: {  	s25 =	simm.s32 $0x1B8E;
	s24 =	sld [smem:$0x3FFE];
	[sflag:s23] =	ssyncadd.s32 $0xFFFFFFFF  }
0xa5: {  	s26 =	simm.s32 $execute0_lowered;
	[smem:$0x3FD2] =	sst s25  }
0xa6: {  	s4 =	sshll.u32 s26, $0x1;
	_ =	strace $0x80000046;
	[dreg:$0x1] =	wrdreg $0xFFFFFFFF  }
0xa7: {  	s28 =	simm.s32 $_size_execute0_lowered;
	s2 =	sadd.s32 s2, s4;
	[dreg:$0x0] =	wrdreg $0x0  }
0xa8: {  	s4 =	sshll.u32 s28, $0x1;
	[dreg:$0x2] =	wrdreg s2  }
0xa9: {  	[dreg:$0x3] =	wrdreg s4  }
0xaa: {  	[dreg:$0x4] =	wrdreg $0xC0  }
0xab: {  	_ =	task [dreg:s6], $0x5FFFF  }
0xac: {  	[dreg:$0x1] =	wrdreg $0xFFFFFFFF  }
0xad: {  	[dreg:$0x0] =	wrdreg $0x60  }
0xae: {  	[dreg:$0x2] =	wrdreg s24  }
0xaf: {  	[dreg:$0x3] =	wrdreg $0x9  }
0xb0: {  	_ =	task.clear_ibuf [dreg:s6], $0x4FFFF;
	_ =	strace $0x90000046  }
0xb1: {  	s29 =	simm.s32 $0x9;
	_ =	strace $0x80000048  }
0xb2: {  	_ =	swait.ge [sflag:s29], $0x1  }
0xb3: {  	[sflag:s29] =	ssyncadd.s32 $0xFFFFFFFF  }
0xb4: {  	_ =	strace $0x90000048  }
0xb5: {  	_ =	sfence  }
0xb6: {  	s30 =	sld [smem:$0x0];
	_ =	sdelay $0x2  }
0xb7: {  	s31 =	sshll.u32 s1, $0xD;
	s1 =	sshrl.u32 s1, $0x2  }
0xb8: {  	s3 =	sand.u32 $0x4000, s31;
	s1 =	sadd.s32 s1, s30  }
0xb9: {  	s0 =	sor.u32 s3, s0;
	s1 =	sshll.u32 s1, $0x11  }
0xba: {  	s0 =	sor.u32 s1, s0  }
0xbb: {  	s0 =	sadd.s32 $0x8F2B, s0  }
0xbc: {  	[sflag:s0] =	ssyncadd.remote.s32 $0x1  }
0xbd: {  	_ =	sfence.sel $0xFFFF  }
0xbe: {  	[dreg:$0x0] =	wrdreg $0xFFFFFFFF;
	(pc) =	sbr.abs _section_cstart, $3  }
0xbf: {  	[dreg:$0x1] =	wrdreg $0xFFFFFFFF  }
0xc0: {  	_ =	task.clear_ibuf [dreg:s6], $0x2FFFF;
	_ =	strace $0x9FFFFFFF  }
0xc1: {  	(tm) =	ssettm $0x7FFFFFFF  }
tec
execute0_lowered:
.L_overlay_start_1:
0x0: {  	(tag) =	ssettag $0x1  }
0x1: {  	s1 =	srdreg.scid  }
0x2: {  	s0 =	stileid.u32;
	s2 =	rddreg [dreg:$0x0]  }
0x3: {  	s3 =	simm.s32 $0x0;
	s9 =	simm.s32 $0x2710;
	s10 =	simm.s32 $0x50  }
0x4: {  	s11 =	simm.s32 $0x4E20;
	s12 =	simm.s32 $0x6220;
	s13 =	simm.s32 $0x7620  }
0x5: {  	s14 =	simm.s32 $0x2760;
	s15 =	simm.s32 $0x8A20;
	s16 =	simm.s32 $0x1  }
0x6: {  	s17 =	simm.s32 $0x2;
	s4 =	sand.u32 $0x1, s1;
	s5 =	sshll.u32 s0, $0x1  }
0x7: {  	s18 =	simm.s32 $0x3;
	s19 =	simm.s32 $0x4;
	s5 =	sor.u32 s4, s5  }
0x8: {  	s20 =	simm.s32 $0x9E20;
	s1 =	rddreg [dreg:$0x1];
	s6 =	smul.u32 $0x2710, s5  }
0x9: {  	s21 =	simm.s32 $0x0;
	[smem:$0x7FF] =	sst s3;
	s4 =	ssub.s32 $0x2, s4  }
0xa: {  	_ =	strace $0x80000047;
	s7 =	sshrl.u32 s4, $0x1;
	s6 =	sshrl.u32 s6, $0x3  }
0xb: {  	s5 =	sshll.u32 s5, $0x1;
	s7 =	ssub.s32 s4, s7;
	s6 =	sadd.s32 s6, s2  }
0xc: {  	s8 =	sadd.s32 s5, s2;
	s7 =	smax.u32 s7, $0x1;
	s4 =	sadd.s32 $0x13A00, s6  }
0xd: {  	s5 =	sadd.s32 $0x1D640, s6;
	s6 =	sadd.s32 $0x27400, s8;
	s8 =	simm.s32 $0x5  }
.LBB2_1:
0xe: {  	[tilespmem:s3], [sflag:$0x5] =	stream.linear.gather [hbm4b:s4+s3], $0x2710, $0x38;
	[tilespmem:$0x9E30] =	vst v63  }
0xf: {  	_ =	swait.ge [sflag:s8], $0x2710  }
0x10: {  	[sflag:s8] =	ssyncset.done $0x0  }
0x11: {  	[sflag:s8] =	ssyncadd.s32 $0xFFFFD8F0  }
0x12: {  	[tilespmem:s9], [sflag:$0x5] =	stream.linear.gather [hbm4b:s5+s3], $0x2710, $0x38;
	[tilespmem:$0x9E30] =	vst v63  }
0x13: {  	_ =	swait.ge [sflag:s8], $0x2710  }
0x14: {  	[sflag:s8] =	ssyncset.done $0x0  }
0x15: {  	[sflag:s8] =	ssyncadd.s32 $0xFFFFD8F0  }
0x16: {  	[tilespmem:s11], [sflag:$0x1] =	stream.indirect.gather [hbm4b:s2+s10], $0x40, s3, s10, $0xb8;
	[tilespmem:$0x9E30] =	vst v63  }
0x17: {  	_ = 	snop  }
0x18: {  	[tilespmem:s12], [sflag:$0x2] =	stream.indirect.gather [hbm4b:s2+s10], $0x40, s9, s10, $0xb8;
	[tilespmem:$0x9E30] =	vst v63  }
0x19: {  	_ = 	snop  }
0x1a: {  	v0 =	vimm.f32 $0.0e+00;
	v7 =	vimm.f32 $0.0e+00;
	[tilespmem:s13], [sflag:$0x3] =	stream.indirect.gather [hbm4b:s2+s10], $0x40, s10, s10, $0xb8;
	[tilespmem:$0x9E30] =	vst v63  }
0x1b: {  	v1 =	vimm.f32 $0.0e+00;
	v2 =	vimm.f32 $0.0e+00;
	v3 =	vimm.f32 $0.0e+00;
	s22 =	simm.s32 $0x0  }
0x1c: {  	v4 =	vimm.f32 $0.0e+00;
	v5 =	vimm.f32 $0.0e+00;
	v6 =	vimm.f32 $0.0e+00;
	[tilespmem:s15], [sflag:$0x4] =	stream.indirect.gather [hbm4b:s2+s10], $0x40, s14, s10, $0xb8;
	[tilespmem:$0x9E30] =	vst v63  }
.LBB2_2:
0x1d: {  	_ =	swait.ge [sflag:s16], $0x1400  }
0x1e: {  	[sflag:s16] =	ssyncset.done $0x0  }
0x1f: {  	[sflag:s16] =	ssyncadd.s32 $0xFFFFEC00  }
0x20: {  	_ =	swait.ge [sflag:s17], $0x1400  }
0x21: {  	[sflag:s17] =	ssyncset.done $0x0  }
0x22: {  	s23 =	simm.s32 $0x0;
	[sflag:s17] =	ssyncadd.s32 $0xFFFFEC00  }
0x23: {  	v8 =	vld [tilespmem:s23+$0x4E50]  }
0x24: {  	v9 =	vld [tilespmem:s23+$0x6250]  }
0x25: {  	v10 =	vld [tilespmem:s23+$0x4E20]  }
0x26: {  	v11 =	vld [tilespmem:s23+$0x6220]  }
0x27: {  	v15 =	vld [tilespmem:s23+$0x4E40]  }
0x28: {  	v18 =	vld [tilespmem:s23+$0x6240]  }
0x29: {  	v12 =	vld [tilespmem:s23+$0x4E30];
	v14 =	vshll.u32 v8, $0x10  }
0x2a: {  	v13 =	vld [tilespmem:s23+$0x6230];
	v16 =	vshll.u32 v9, $0x10;
	v8 =	vand.u32 $0xFFFF0000, v8;
	v9 =	vand.u32 $0xFFFF0000, v9  }
0x2b: {  	v17 =	vshll.u32 v10, $0x10;
	v10 =	vand.u32 $0xFFFF0000, v10;
	v19 =	vshll.u32 v11, $0x10  }
0x2c: {  	v11 =	vand.u32 $0xFFFF0000, v11;
	v63 =	vshll.u32 v15, $0x10;
	v15 =	vand.u32 $0xFFFF0000, v15  }
0x2d: {  	v21 =	vshll.u32 v18, $0x10;
	v18 =	vand.u32 $0xFFFF0000, v18;
	v9 =	vsub.f32 v8, v9  }
0x2e: {  	v8 =	vsub.f32 v14, v16;
	v14 =	vshll.u32 v12, $0x10;
	v12 =	vand.u32 $0xFFFF0000, v12  }
0x2f: {  	v16 =	vsub.f32 v17, v19;
	v17 =	vshll.u32 v13, $0x10;
	v13 =	vand.u32 $0xFFFF0000, v13  }
0x30: {  	v20 =	vsub.f32 v10, v11;
	v15 =	vsub.f32 v15, v18;
	v9 =	vmul.f32 v9, v9  }
0x31: {  	s24 =	simm.s32 $0x40;
	v11 =	vsub.f32 v14, v17;
	v12 =	vsub.f32 v12, v13;
	v10 =	vmul.f32 v16, v16  }
0x32: {  	s23 =	simm.s32 $0x200;
	v14 =	vsub.f32 v63, v21;
	v13 =	vmul.f32 v20, v20;
	v7 =	vadd.f32 v9, v7;
	v9 =	vld [tilespmem:s24+$0x4E50]  }
.LBB2_3:
0x33: {  	p0 =	sne.s32 s23, $0x4F00;
	v16 =	vld [tilespmem:s24+$0x6250];
	v6 =	vadd.f32 v10, v6;
	v10 =	vmul.f32 v11, v11;
	v11 =	vmul.f32 v12, v12  }
0x34: {  	v12 =	vld [tilespmem:s24+$0x4E20];
	v5 =	vadd.f32 v13, v5;
	v13 =	vmul.f32 v14, v14;
	v14 =	vmul.f32 v15, v15  }
0x35: {  	v8 =	vmul.f32 v8, v8;
	v15 =	vld [tilespmem:s24+$0x6220];
	v4 =	vadd.f32 v10, v4;
	v3 =	vadd.f32 v11, v3  }
0x36: {  	v10 =	vld [tilespmem:s24+$0x4E30];
	v2 =	vadd.f32 v13, v2;
	v1 =	vadd.f32 v14, v1  }
0x37: {  	v0 =	vadd.f32 v8, v0;
	v11 =	vld [tilespmem:s24+$0x6230];
	v13 =	vshll.u32 v9, $0x10  }
0x38: {  	v9 =	vand.u32 $0xFFFF0000, v9;
	v14 =	vld [tilespmem:s24+$0x4E40];
	v8 =	vshll.u32 v16, $0x10;
	v16 =	vand.u32 $0xFFFF0000, v16  }
0x39: {  	v17 =	vshll.u32 v12, $0x10;
	v12 =	vand.u32 $0xFFFF0000, v12;
	v18 =	vld [tilespmem:s24+$0x6240];
	v9 =	vsub.f32 v9, v16  }
0x3a: {  	v8 =	vsub.f32 v13, v8;
	v16 =	vshll.u32 v15, $0x10;
	v15 =	vand.u32 $0xFFFF0000, v15  }
0x3b: {  	v13 =	vshll.u32 v10, $0x10;
	v19 =	vand.u32 $0xFFFF0000, v10;
	v9 =	vmul.f32 v9, v9  }
.Ltmp0:
0x3c: {  	v10 =	vsub.f32 v17, v16;
	v16 =	vshll.u32 v11, $0x10;
	v17 =	vand.u32 $0xFFFF0000, v11;
	(pc) =	sbr.rel @p0 .LBB2_3-.Ltmp0, $4  }
0x3d: {  	v20 =	vshll.u32 v14, $0x10;
	v21 =	vand.u32 $0xFFFF0000, v14;
	v7 =	vadd.f32 v9, v7  }
0x3e: {  	v14 =	vsub.f32 v12, v15;
	v15 =	vshll.u32 v18, $0x10;
	v18 =	vand.u32 $0xFFFF0000, v18  }
0x3f: {  	s24 =	sshra.s32 s23, $0x2;
	v10 =	vmul.f32 v10, v10;
	v11 =	vsub.f32 v13, v16;
	v12 =	vsub.f32 v19, v17  }
0x40: {  	s23 =	sadd.s32 $0x100, s23;
	v13 =	vmul.f32 v14, v14;
	v14 =	vsub.f32 v20, v15;
	v15 =	vsub.f32 v21, v18;
	v9 =	vld [tilespmem:s24+$0x4E50]  }
0x41: {  	v16 =	vld [tilespmem:s24+$0x6250]  }
0x42: {  	v17 =	vld [tilespmem:s24+$0x4E20]  }
0x43: {  	v18 =	vld [tilespmem:s24+$0x6220]  }
0x44: {  	v19 =	vld [tilespmem:s24+$0x4E30];
	v6 =	vadd.f32 v10, v6;
	v10 =	vmul.f32 v11, v11;
	v11 =	vmul.f32 v12, v12;
	s23 =	smul.u32 $0xA0, s22  }
0x45: {  	v12 =	vld [tilespmem:s24+$0x6230];
	v5 =	vadd.f32 v13, v5;
	v13 =	vmul.f32 v14, v14;
	v14 =	vmul.f32 v15, v15  }
0x46: {  	v15 =	vld [tilespmem:s24+$0x4E40];
	v4 =	vadd.f32 v10, v4;
	v10 =	vadd.f32 v11, v3;
	v3 =	vmul.f32 v8, v8;
	s29 =	sadd.s32 $0xA0, s23  }
0x47: {  	v8 =	vld [tilespmem:s24+$0x6240];
	v11 =	vadd.f32 v13, v2;
	v13 =	vadd.f32 v14, v1;
	[tilespmem:s11], [sflag:$0x1] =	stream.indirect.gather [hbm4b:s2+s10], $0x40, s29, s10, $0xb8;
	v1 =	vshll.u32 v9, $0x10  }
0x48: {  	s30 =	sadd.s32 $0x27B0, s23;
	v0 =	vadd.f32 v3, v0;
	v3 =	vand.u32 $0xFFFF0000, v9;
	v2 =	vshll.u32 v16, $0x10  }
0x49: {  	v9 =	vand.u32 $0xFFFF0000, v16;
	v14 =	vshll.u32 v17, $0x10;
	v16 =	vand.u32 $0xFFFF0000, v17;
	[tilespmem:s12], [sflag:$0x2] =	stream.indirect.gather [hbm4b:s2+s10], $0x40, s30, s10, $0xb8;
	[tilespmem:$0x9E30] =	vst v63  }
0x4a: {  	v17 =	vand.u32 $0xFFFF0000, v18;
	v3 =	vsub.f32 v3, v9;
	v9 =	vshll.u32 v18, $0x10;
	_ =	swait.ge [sflag:s18], $0x1400  }
0x4b: {  	v60 =	vsub.f32 v1, v2;
	v1 =	vshll.u32 v19, $0x10;
	v2 =	vand.u32 $0xFFFF0000, v19;
	[sflag:s18] =	ssyncset.done $0x0  }
0x4c: {  	v9 =	vsub.f32 v14, v9;
	v14 =	vshll.u32 v12, $0x10;
	v3 =	vmul.f32 v3, v3;
	[sflag:s18] =	ssyncadd.s32 $0xFFFFEC00  }
0x4d: {  	v61 =	vshll.u32 v15, $0x10;
	v15 =	vand.u32 $0xFFFF0000, v15;
	v14 =	vsub.f32 v1, v14;
	_ =	swait.ge [sflag:s19], $0x1400  }
0x4e: {  	v12 =	vand.u32 $0xFFFF0000, v12;
	v20 =	vadd.f32 v3, v7;
	v3 =	vsub.f32 v16, v17;
	[sflag:s19] =	ssyncset.done $0x0  }
0x4f: {  	s31 =	simm.s32 $0x0;
	v2 =	vsub.f32 v2, v12;
	v9 =	vmul.f32 v9, v9;
	v7 =	vshll.u32 v8, $0x10;
	[sflag:s19] =	ssyncadd.s32 $0xFFFFEC00  }
0x50: {  	v8 =	vand.u32 $0xFFFF0000, v8;
	v7 =	vsub.f32 v61, v7;
	v3 =	vmul.f32 v3, v3;
	v12 =	vld [tilespmem:s31+$0x7650]  }
0x51: {  	v8 =	vsub.f32 v15, v8;
	v1 =	vadd.f32 v9, v6;
	v6 =	vmul.f32 v14, v14;
	v9 =	vld [tilespmem:s31+$0x8A50]  }
0x52: {  	v14 =	vmul.f32 v2, v2;
	v15 =	vld [tilespmem:s31+$0x7620];
	v2 =	vadd.f32 v3, v5;
	v5 =	vmul.f32 v7, v7  }
0x53: {  	v16 =	vld [tilespmem:s31+$0x8A20];
	v8 =	vmul.f32 v8, v8;
	v3 =	vadd.f32 v6, v4;
	v6 =	vmul.f32 v60, v60  }
0x54: {  	v7 =	vadd.f32 v14, v10;
	v10 =	vld [tilespmem:s31+$0x7630];
	v4 =	vadd.f32 v5, v11  }
0x55: {  	v17 =	vld [tilespmem:s31+$0x8A40];
	v5 =	vadd.f32 v8, v13;
	v0 =	vadd.f32 v6, v0;
	v8 =	vshll.u32 v12, $0x10  }
0x56: {  	v6 =	vld [tilespmem:s31+$0x8A30];
	v13 =	vshll.u32 v9, $0x10;
	v12 =	vand.u32 $0xFFFF0000, v12;
	v9 =	vand.u32 $0xFFFF0000, v9  }
0x57: {  	v11 =	vld [tilespmem:s31+$0x7640];
	v14 =	vshll.u32 v15, $0x10;
	v15 =	vand.u32 $0xFFFF0000, v15;
	v9 =	vsub.f32 v12, v9  }
0x58: {  	v12 =	vshll.u32 v16, $0x10;
	v16 =	vand.u32 $0xFFFF0000, v16;
	v8 =	vsub.f32 v8, v13  }
0x59: {  	v13 =	vshll.u32 v10, $0x10;
	v62 =	vand.u32 $0xFFFF0000, v10;
	v10 =	vsub.f32 v14, v12  }
0x5a: {  	v15 =	vsub.f32 v15, v16;
	v16 =	vshll.u32 v17, $0x10;
	v9 =	vmul.f32 v9, v9  }
0x5b: {  	v17 =	vand.u32 $0xFFFF0000, v17;
	v12 =	vshll.u32 v6, $0x10;
	v14 =	vand.u32 $0xFFFF0000, v6  }
0x5c: {  	v63 =	vshll.u32 v11, $0x10;
	v21 =	vand.u32 $0xFFFF0000, v11;
	v6 =	vadd.f32 v9, v20  }
0x5d: {  	s24 =	simm.s32 $0x40;
	v10 =	vmul.f32 v10, v10;
	v11 =	vsub.f32 v13, v12;
	v12 =	vsub.f32 v62, v14  }
0x5e: {  	s25 =	simm.s32 $0x200;
	v9 =	vld [tilespmem:s24+$0x7650];
	v13 =	vmul.f32 v15, v15;
	v14 =	vsub.f32 v63, v16;
	v15 =	vsub.f32 v21, v17  }
.LBB2_5:
0x5f: {  	p0 =	sne.s32 s25, $0x4F00;
	v16 =	vld [tilespmem:s24+$0x8A50];
	v1 =	vadd.f32 v10, v1;
	v10 =	vmul.f32 v11, v11;
	v11 =	vmul.f32 v12, v12  }
0x60: {  	v12 =	vld [tilespmem:s24+$0x7620];
	v2 =	vadd.f32 v13, v2;
	v13 =	vmul.f32 v14, v14;
	v14 =	vmul.f32 v15, v15  }
0x61: {  	v8 =	vmul.f32 v8, v8;
	v15 =	vld [tilespmem:s24+$0x8A20];
	v3 =	vadd.f32 v10, v3;
	v7 =	vadd.f32 v11, v7  }
0x62: {  	v10 =	vld [tilespmem:s24+$0x7630];
	v4 =	vadd.f32 v13, v4;
	v5 =	vadd.f32 v14, v5  }
0x63: {  	v0 =	vadd.f32 v8, v0;
	v11 =	vld [tilespmem:s24+$0x8A30];
	v13 =	vshll.u32 v9, $0x10  }
0x64: {  	v9 =	vand.u32 $0xFFFF0000, v9;
	v14 =	vld [tilespmem:s24+$0x7640];
	v8 =	vshll.u32 v16, $0x10;
	v16 =	vand.u32 $0xFFFF0000, v16  }
0x65: {  	v17 =	vshll.u32 v12, $0x10;
	v12 =	vand.u32 $0xFFFF0000, v12;
	v18 =	vld [tilespmem:s24+$0x8A40];
	v9 =	vsub.f32 v9, v16  }
0x66: {  	v8 =	vsub.f32 v13, v8;
	v16 =	vshll.u32 v15, $0x10;
	v15 =	vand.u32 $0xFFFF0000, v15  }
0x67: {  	v13 =	vshll.u32 v10, $0x10;
	v19 =	vand.u32 $0xFFFF0000, v10;
	v9 =	vmul.f32 v9, v9  }
.Ltmp1:
0x68: {  	v10 =	vsub.f32 v17, v16;
	v16 =	vshll.u32 v11, $0x10;
	v17 =	vand.u32 $0xFFFF0000, v11;
	(pc) =	sbr.rel @p0 .LBB2_5-.Ltmp1, $4  }
0x69: {  	v20 =	vshll.u32 v14, $0x10;
	v21 =	vand.u32 $0xFFFF0000, v14;
	v6 =	vadd.f32 v9, v6  }
0x6a: {  	v14 =	vsub.f32 v12, v15;
	v15 =	vshll.u32 v18, $0x10;
	v18 =	vand.u32 $0xFFFF0000, v18  }
0x6b: {  	s24 =	sshra.s32 s25, $0x2;
	v10 =	vmul.f32 v10, v10;
	v11 =	vsub.f32 v13, v16;
	v12 =	vsub.f32 v19, v17  }
0x6c: {  	s25 =	sadd.s32 $0x100, s25;
	v13 =	vmul.f32 v14, v14;
	v14 =	vsub.f32 v20, v15;
	v15 =	vsub.f32 v21, v18;
	v9 =	vld [tilespmem:s24+$0x7650]  }
0x6d: {  	v16 =	vld [tilespmem:s24+$0x8A50]  }
0x6e: {  	v48 =	vld [tilespmem:s24+$0x7620]  }
0x6f: {  	v1 =	vadd.f32 v10, v1;
	v46 =	vmul.f32 v11, v11;
	v47 =	vmul.f32 v12, v12;
	v51 =	vld [tilespmem:s24+$0x8A20]  }
0x70: {  	v18 =	vld [tilespmem:s24+$0x8A40];
	v2 =	vadd.f32 v13, v2;
	v49 =	vmul.f32 v14, v14;
	v50 =	vmul.f32 v15, v15  }
0x71: {  	v3 =	vadd.f32 v46, v3;
	v52 =	vadd.f32 v47, v7;
	v7 =	vmul.f32 v8, v8  }
0x72: {  	v8 =	vld [tilespmem:s24+$0x7630];
	v53 =	vadd.f32 v49, v4;
	v54 =	vadd.f32 v50, v5;
	v5 =	vshll.u32 v9, $0x10  }
0x73: {  	v4 =	vld [tilespmem:s24+$0x8A30];
	v0 =	vadd.f32 v7, v0;
	v56 =	vand.u32 $0xFFFF0000, v9;
	v55 =	vshll.u32 v16, $0x10  }
0x74: {  	v7 =	vld [tilespmem:s24+$0x7640];
	v16 =	vand.u32 $0xFFFF0000, v16;
	v17 =	vshll.u32 v48, $0x10;
	v12 =	vand.u32 $0xFFFF0000, v48  }
0x75: {  	v57 =	vshll.u32 v51, $0x10;
	v15 =	vand.u32 $0xFFFF0000, v51;
	v59 =	vshll.u32 v18, $0x10  }
0x76: {  	v60 =	vand.u32 $0xFFFF0000, v18;
	v9 =	vsub.f32 v56, v16;
	v14 =	vsub.f32 v5, v55  }
0x77: {  	v16 =	vsub.f32 v17, v57;
	v5 =	vshll.u32 v8, $0x10;
	v8 =	vand.u32 $0xFFFF0000, v8  }
0x78: {  	v9 =	vmul.f32 v9, v9;
	v58 =	vshll.u32 v4, $0x10;
	v4 =	vand.u32 $0xFFFF0000, v4  }
0x79: {  	v63 =	vmul.f32 v14, v14;
	v19 =	vshll.u32 v7, $0x10;
	v5 =	vsub.f32 v5, v58  }
0x7a: {  	v20 =	vand.u32 $0xFFFF0000, v7;
	v7 =	vadd.f32 v9, v6;
	v6 =	vsub.f32 v12, v15  }
0x7b: {  	p0 =	seq.s32 s22, $0x3D;
	v61 =	vmul.f32 v16, v16;
	v4 =	vsub.f32 v8, v4;
	v9 =	vsub.f32 v19, v59  }
.Ltmp2:
0x7c: {  	v12 =	vsub.f32 v20, v60;
	v0 =	vadd.f32 v63, v0;
	v8 =	vmul.f32 v6, v6;
	(pc) =	sbr.rel @p0 .LBB2_8-.Ltmp2, $4  }
0x7d: {  	v62 =	vmul.f32 v4, v4;
	v6 =	vadd.f32 v61, v1;
	v1 =	vmul.f32 v5, v5  }
0x7e: {  	v5 =	vadd.f32 v8, v2;
	v2 =	vmul.f32 v9, v9;
	v8 =	vmul.f32 v12, v12  }
0x7f: {  	v4 =	vadd.f32 v1, v3;
	v3 =	vadd.f32 v62, v52  }
0x80: {  	v2 =	vadd.f32 v2, v53;
	v1 =	vadd.f32 v8, v54  }
.Ltmp3:
0x81: {  	(pc) =	sbr.rel .LBB2_2-.Ltmp3, $4  }
0x82: {  	s24 =	sadd.s32 $0xF0, s23  }
0x83: {  	[tilespmem:s13], [sflag:$0x3] =	stream.indirect.gather [hbm4b:s2+s10], $0x40, s24, s10, $0xb8;
	[tilespmem:$0x9E30] =	vst v63  }
0x84: {  	s31 =	sadd.s32 $0x2800, s23;
	s22 =	sadd.s32 $0x1, s22  }
0x85: {  	[tilespmem:s15], [sflag:$0x4] =	stream.indirect.gather [hbm4b:s2+s10], $0x40, s31, s10, $0xb8;
	[tilespmem:$0x9E30] =	vst v63  }
.LBB2_8:
0x86: {  	_ =	swait.ge [sflag:s16], $0x1400  }
0x87: {  	[sflag:s16] =	ssyncset.done $0x0  }
0x88: {  	[sflag:s16] =	ssyncadd.s32 $0xFFFFEC00  }
0x89: {  	_ =	swait.ge [sflag:s17], $0x1400  }
0x8a: {  	[sflag:s17] =	ssyncset.done $0x0  }
0x8b: {  	s22 =	simm.s32 $0x0;
	[sflag:s17] =	ssyncadd.s32 $0xFFFFEC00  }
0x8c: {  	v8 =	vld [tilespmem:s22+$0x4E50]  }
0x8d: {  	v9 =	vld [tilespmem:s22+$0x6250]  }
0x8e: {  	v10 =	vld [tilespmem:s22+$0x4E20]  }
0x8f: {  	v11 =	vld [tilespmem:s22+$0x6220]  }
0x90: {  	v15 =	vld [tilespmem:s22+$0x4E40]  }
0x91: {  	v18 =	vld [tilespmem:s22+$0x6240]  }
0x92: {  	v12 =	vld [tilespmem:s22+$0x4E30];
	v14 =	vshll.u32 v8, $0x10  }
0x93: {  	v13 =	vld [tilespmem:s22+$0x6230];
	v16 =	vshll.u32 v9, $0x10;
	v8 =	vand.u32 $0xFFFF0000, v8;
	v9 =	vand.u32 $0xFFFF0000, v9  }
0x94: {  	v17 =	vshll.u32 v10, $0x10;
	v10 =	vand.u32 $0xFFFF0000, v10;
	v19 =	vshll.u32 v11, $0x10  }
0x95: {  	v11 =	vand.u32 $0xFFFF0000, v11;
	v63 =	vshll.u32 v15, $0x10;
	v15 =	vand.u32 $0xFFFF0000, v15  }
0x96: {  	v21 =	vshll.u32 v18, $0x10;
	v18 =	vand.u32 $0xFFFF0000, v18;
	v9 =	vsub.f32 v8, v9  }
0x97: {  	v8 =	vsub.f32 v14, v16;
	v14 =	vshll.u32 v12, $0x10;
	v12 =	vand.u32 $0xFFFF0000, v12  }
0x98: {  	v16 =	vsub.f32 v17, v19;
	v17 =	vshll.u32 v13, $0x10;
	v13 =	vand.u32 $0xFFFF0000, v13  }
0x99: {  	v20 =	vsub.f32 v10, v11;
	v15 =	vsub.f32 v15, v18;
	v9 =	vmul.f32 v9, v9  }
0x9a: {  	s22 =	simm.s32 $0x40;
	v11 =	vsub.f32 v14, v17;
	v12 =	vsub.f32 v12, v13;
	v10 =	vmul.f32 v16, v16  }
0x9b: {  	s23 =	simm.s32 $0x200;
	v14 =	vsub.f32 v63, v21;
	v13 =	vmul.f32 v20, v20;
	v7 =	vadd.f32 v9, v7;
	v9 =	vld [tilespmem:s22+$0x4E50]  }
.LBB2_9:
0x9c: {  	p0 =	sne.s32 s23, $0x4F00;
	v16 =	vld [tilespmem:s22+$0x6250];
	v6 =	vadd.f32 v10, v6;
	v10 =	vmul.f32 v11, v11;
	v11 =	vmul.f32 v12, v12  }
0x9d: {  	v12 =	vld [tilespmem:s22+$0x4E20];
	v5 =	vadd.f32 v13, v5;
	v13 =	vmul.f32 v14, v14;
	v14 =	vmul.f32 v15, v15  }
0x9e: {  	v8 =	vmul.f32 v8, v8;
	v15 =	vld [tilespmem:s22+$0x6220];
	v4 =	vadd.f32 v10, v4;
	v3 =	vadd.f32 v11, v3  }
0x9f: {  	v10 =	vld [tilespmem:s22+$0x4E30];
	v2 =	vadd.f32 v13, v2;
	v1 =	vadd.f32 v14, v1  }
0xa0: {  	v0 =	vadd.f32 v8, v0;
	v11 =	vld [tilespmem:s22+$0x6230];
	v13 =	vshll.u32 v9, $0x10  }
0xa1: {  	v9 =	vand.u32 $0xFFFF0000, v9;
	v14 =	vld [tilespmem:s22+$0x4E40];
	v8 =	vshll.u32 v16, $0x10;
	v16 =	vand.u32 $0xFFFF0000, v16  }
0xa2: {  	v17 =	vshll.u32 v12, $0x10;
	v12 =	vand.u32 $0xFFFF0000, v12;
	v18 =	vld [tilespmem:s22+$0x6240];
	v9 =	vsub.f32 v9, v16  }
0xa3: {  	v8 =	vsub.f32 v13, v8;
	v16 =	vshll.u32 v15, $0x10;
	v15 =	vand.u32 $0xFFFF0000, v15  }
0xa4: {  	v13 =	vshll.u32 v10, $0x10;
	v19 =	vand.u32 $0xFFFF0000, v10;
	v9 =	vmul.f32 v9, v9  }
.Ltmp4:
0xa5: {  	v10 =	vsub.f32 v17, v16;
	v16 =	vshll.u32 v11, $0x10;
	v17 =	vand.u32 $0xFFFF0000, v11;
	(pc) =	sbr.rel @p0 .LBB2_9-.Ltmp4, $4  }
0xa6: {  	v20 =	vshll.u32 v14, $0x10;
	v21 =	vand.u32 $0xFFFF0000, v14;
	v7 =	vadd.f32 v9, v7  }
0xa7: {  	v14 =	vsub.f32 v12, v15;
	v15 =	vshll.u32 v18, $0x10;
	v18 =	vand.u32 $0xFFFF0000, v18  }
0xa8: {  	s22 =	sshra.s32 s23, $0x2;
	v10 =	vmul.f32 v10, v10;
	v11 =	vsub.f32 v13, v16;
	v12 =	vsub.f32 v19, v17  }
0xa9: {  	s23 =	sadd.s32 $0x100, s23;
	v13 =	vmul.f32 v14, v14;
	v14 =	vsub.f32 v20, v15;
	v15 =	vsub.f32 v21, v18;
	v9 =	vld [tilespmem:s22+$0x4E50]  }
0xaa: {  	v16 =	vld [tilespmem:s22+$0x6250]  }
0xab: {  	v6 =	vadd.f32 v10, v6;
	v41 =	vmul.f32 v11, v11;
	v43 =	vld [tilespmem:s22+$0x4E20]  }
0xac: {  	v42 =	vmul.f32 v12, v12;
	v46 =	vld [tilespmem:s22+$0x6220];
	v8 =	vmul.f32 v8, v8;
	v5 =	vadd.f32 v13, v5  }
0xad: {  	v47 =	vld [tilespmem:s22+$0x4E30];
	v44 =	vmul.f32 v14, v14;
	v45 =	vmul.f32 v15, v15;
	v4 =	vadd.f32 v41, v4  }
0xae: {  	v48 =	vld [tilespmem:s22+$0x6230];
	v3 =	vadd.f32 v42, v3;
	v0 =	vadd.f32 v8, v0  }
0xaf: {  	v50 =	vld [tilespmem:s22+$0x4E40];
	v2 =	vadd.f32 v44, v2;
	v1 =	vadd.f32 v45, v1  }
0xb0: {  	v18 =	vld [tilespmem:s22+$0x6240];
	v49 =	vshll.u32 v9, $0x10;
	v52 =	vand.u32 $0xFFFF0000, v9;
	v51 =	vshll.u32 v16, $0x10  }
0xb1: {  	v16 =	vand.u32 $0xFFFF0000, v16;
	v17 =	vshll.u32 v43, $0x10;
	v12 =	vand.u32 $0xFFFF0000, v43  }
0xb2: {  	v53 =	vshll.u32 v46, $0x10;
	v15 =	vand.u32 $0xFFFF0000, v46;
	v54 =	vshll.u32 v47, $0x10  }
0xb3: {  	v10 =	vand.u32 $0xFFFF0000, v47;
	v55 =	vshll.u32 v48, $0x10;
	v11 =	vand.u32 $0xFFFF0000, v48  }
0xb4: {  	v19 =	vshll.u32 v50, $0x10;
	v8 =	vand.u32 $0xFFFF0000, v50;
	v9 =	vsub.f32 v52, v16  }
0xb5: {  	v57 =	vshll.u32 v18, $0x10;
	v16 =	vsub.f32 v17, v53;
	v14 =	vsub.f32 v54, v55  }
0xb6: {  	v58 =	vand.u32 $0xFFFF0000, v18;
	v10 =	vsub.f32 v10, v11;
	v59 =	vsub.f32 v19, v57  }
0xb7: {  	v8 =	vsub.f32 v8, v58;
	v9 =	vmul.f32 v9, v9;
	v16 =	vmul.f32 v16, v16  }
0xb8: {  	v13 =	vsub.f32 v49, v51;
	v60 =	vmul.f32 v14, v14;
	v10 =	vmul.f32 v10, v10  }
0xb9: {  	v56 =	vsub.f32 v12, v15;
	v61 =	vmul.f32 v59, v59;
	v8 =	vmul.f32 v8, v8  }
0xba: {  	v62 =	vmul.f32 v13, v13;
	v7 =	vadd.f32 v9, v7;
	v6 =	vadd.f32 v16, v6  }
0xbb: {  	v9 =	vmul.f32 v56, v56;
	v4 =	vadd.f32 v60, v4;
	v3 =	vadd.f32 v10, v3  }
0xbc: {  	v2 =	vadd.f32 v61, v2;
	v1 =	vadd.f32 v8, v1  }
0xbd: {  	v0 =	vadd.f32 v62, v0;
	v5 =	vadd.f32 v9, v5  }
0xbe: {  	v3 =	vadd.f32 v3, v4;
	v1 =	vadd.f32 v1, v2  }
0xbf: {  	v0 =	vadd.f32 v7, v0;
	v5 =	vadd.f32 v5, v6;
	_ =	sdelay $0x1  }
0xc0: {  	v0 =	vadd.f32 v0, v1;
	v63 =	vadd.f32 v3, v5;
	_ =	sdelay $0x1  }
0xc1: {  	s21 =	sadd.s32 $0x1, s21;
	v0 =	vadd.f32 v0, v63  }
0xc2: {  	p0 =	sne.s32 s21, s7  }
.Ltmp5:
0xc3: {  	[tilespmem:$0x9E20] =	vst v0;
	(pc) =	sbr.rel @p0 .LBB2_1-.Ltmp5, $4  }
0xc4: {  	[hbm4b:s6+s3] =	stream.linear.scatter [tilespmem:s20], [sflag:$0x5], $0x10, $0x38;
	[tilespmem:$0x9E30] =	vst v63  }
0xc5: {  	_ =	swait.ge [sflag:s8], $0x10  }
0xc6: {  	[sflag:s8] =	ssyncset.done $0x0  }
0xc7: {  	[sflag:s8] =	ssyncadd.s32 $0xFFFFFFF0  }
0xc8: {  	_ =	sfence.sel $0x180000  }
0xc9: {  	[bflag:$0x0] =	sbarrier.arrive $0xFFFF  }
0xca: {  	p0 =	sne.s32 s0, $0x0;
	_ =	strace $0x90000047  }
0xcb: {  	s0 =	sadd.s32 @!p0 $0x100000, s1;
	[bflag:$0x2] =	sbarrier.arrive $0xFFFF  }
0xcc: {  	[sflag:s0] =	ssyncadd.tile.s32 @!p0 $0x1;
	_ =	shalt  }
.Lfunc_end2:
_tile_overlayer_lowered:
.L_overlay_start_2:
0xcd: {  	(tag) =	ssettag $0x2  }
0xce: {  	s0 =	rddreg [dreg:$0x0];
	s2 =	stileid.u32  }
0xcf: {  	s1 =	rddreg [dreg:$0x1];
	p0 =	sne.s32 s2, $0x0  }
0xd0: {  	s3 =	rddreg [dreg:$0x2];
	[bflag:$0x3] =	sbarrier.arrive $0xFFFF;
	s2 =	simm.s32 @!p0 $0x1C05  }
0xd1: {  	[timem:s3], [sflag:s2] =	dma.local @!p0 [hbm:s0], s1  }
0xd2: {  	s0 =	simm.s32 @!p0 $0x5  }
0xd3: {  	_ =	swait.ge @!p0 [sflag:s0], s1  }
0xd4: {  	s1 =	ssub.s32 @!p0 $0x0, s1;
	[sflag:s0] =	ssyncset.done @!p0 $0x0  }
0xd5: {  	[sflag:s0] =	ssyncadd.s32 @!p0 s1  }
0xd6: {  	[bflag:$0x3] =	sbarrier.arrive $0xFFFF  }
0xd7: {  	_ =	shalt  }

</sc_bundles>
